<compile_context>
chip_gen: v7x
topology: tpu7x:2x2x1
jax: 0.10.2.dev20260603
libtpu: 0.0.44.dev20260713+nightly
codegen_flags: <defaults>
</compile_context>

<pallas_src>
import jax
import jax.numpy as jnp
from jax import lax
from jax.experimental import pallas as pl
from jax.experimental.pallas import tpu as pltpu
from jax.experimental.pallas import tpu_sc as plsc

SCORE_THRESH = 0.05
NMS_THRESH = 0.5
DET_PER_IMG = 100
NEG = -1e10

L = 16
NT = 16
SHARD = 1280
NPAD = NT * SHARD
NCH = SHARD // L
OUT_ROWS = 104
BIG = NPAD


def _splat_f(x):
    return jnp.full((L,), x, jnp.float32)


def _splat_i(x):
    return jnp.full((L,), x, jnp.int32)


def _nms_sc_body(x1h, y1h, x2h, y2h, sh, outh,
                 vx1, vy1, vx2, vy2, varea, vwork, pub, mrg, outst, board,
                 sem):
    sid = lax.axis_index("s")
    lane = lax.iota(jnp.int32, L)
    negv = _splat_f(NEG)
    zerov = _splat_f(0.0)
    base = sid * SHARD

    cps = [
        pltpu.async_copy(x1h.at[pl.ds(base, SHARD)], vx1, sem),
        pltpu.async_copy(y1h.at[pl.ds(base, SHARD)], vy1, sem),
        pltpu.async_copy(x2h.at[pl.ds(base, SHARD)], vx2, sem),
        pltpu.async_copy(y2h.at[pl.ds(base, SHARD)], vy2, sem),
        pltpu.async_copy(sh.at[pl.ds(base, SHARD)], vwork, sem),
    ]
    for cp in cps:
        cp.wait()

    def publish_and_merge(parity, rmax, ridx, postpub=None):
        m = jnp.max(rmax)
        msp = _splat_f(m)
        idxm = jnp.min(jnp.where(rmax == msp, ridx, _splat_i(BIG)))
        off = jnp.clip(idxm - base, 0, SHARD - 1)
        offv = _splat_i(off)
        bx1 = plsc.load_gather(vx1, [offv])
        by1 = plsc.load_gather(vy1, [offv])
        bx2 = plsc.load_gather(vx2, [offv])
        by2 = plsc.load_gather(vy2, [offv])
        info = jnp.where(lane == 0, msp,
               jnp.where(lane == 1, bx1,
               jnp.where(lane == 2, by1,
               jnp.where(lane == 3, bx2,
               jnp.where(lane == 4, by2, zerov)))))
        pub[...] = info
        pltpu.sync_copy(pub, board.at[parity, pl.ds(sid * L, L)])
        if postpub is not None:
            postpub()
        plsc.subcore_barrier()
        pltpu.sync_copy(board.at[parity], mrg)
        sc16 = plsc.load_gather(mrg, [lane * L])
        mg = jnp.max(sc16)
        mgs = _splat_f(mg)
        tsel = jnp.min(jnp.where(sc16 == mgs, lane, _splat_i(99)))
        tv = _splat_i(tsel * L)
        wx1 = plsc.load_gather(mrg, [tv + 1])
        wy1 = plsc.load_gather(mrg, [tv + 2])
        wx2 = plsc.load_gather(mrg, [tv + 3])
        wy2 = plsc.load_gather(mrg, [tv + 4])
        return (tsel, off, mgs, wx1, wy1, wx2, wy2)

    UNROLL = 4

    def ichunk(g, carry):
        rmax, ridx = carry
        for u in range(UNROLL):
            c = g * UNROLL + u
            ds = pl.ds(c * L, L)
            s = vwork[ds]
            w = jnp.where(s > _splat_f(SCORE_THRESH), s, negv)
            vwork[ds] = w
            x1 = vx1[ds]
            y1 = vy1[ds]
            varea[ds] = (vx2[ds] - x1) * (vy2[ds] - y1)
            gidx = _splat_i(base + c * L) + lane
            mk = w > rmax
            rmax = jnp.where(mk, w, rmax)
            ridx = jnp.where(mk, gidx, ridx)
        return rmax, ridx

    rmax0 = _splat_f(-3.0e38)
    ridx0 = _splat_i(BIG)
    rmax, ridx = lax.fori_loop(0, NCH // UNROLL, ichunk, (rmax0, ridx0))
    win0 = publish_and_merge(0, rmax, ridx)

    def write_row(r, win):
        _, _, mgs, wx1, wy1, wx2, wy2 = win

        @pl.when(sid == 0)
        def _():
            row = jnp.where(lane == 0, wx1,
                  jnp.where(lane == 1, wy1,
                  jnp.where(lane == 2, wx2,
                  jnp.where(lane == 3, wy2,
                  jnp.where(lane == 4, mgs, zerov)))))
            row = jnp.where(mgs > _splat_f(NEG * 0.5), row, zerov)
            outst[r, :] = row

    def round_body(r, win):
        tsel, off, mgs, wx1, wy1, wx2, wy2 = win

        @pl.when(sid == tsel)
        def _():
            plsc.store_scatter(vwork, [_splat_i(off)], negv, mask=lane == 0)

        warea = (wx2 - wx1) * (wy2 - wy1)

        def chunk(g, carry):
            rmax, ridx = carry
            for u in range(UNROLL):
                c = g * UNROLL + u
                ds = pl.ds(c * L, L)
                w = vwork[ds]
                iw = jnp.maximum(jnp.minimum(wx2, vx2[ds]) - jnp.maximum(wx1, vx1[ds]), zerov)
                ih = jnp.maximum(jnp.minimum(wy2, vy2[ds]) - jnp.maximum(wy1, vy1[ds]), zerov)
                inter = iw * ih
                iou = inter / (warea + varea[ds] - inter + _splat_f(1e-9))
                nw = jnp.where(iou > _splat_f(NMS_THRESH), negv, w)
                vwork[ds] = nw
                gidx = _splat_i(base + c * L) + lane
                mk = nw > rmax
                rmax = jnp.where(mk, nw, rmax)
                ridx = jnp.where(mk, gidx, ridx)
            return rmax, ridx

        rmax, ridx = lax.fori_loop(0, NCH // UNROLL, chunk, (rmax0, ridx0))
        return publish_and_merge((r + 1) % 2, rmax, ridx,
                                 postpub=lambda: write_row(r, win))

    winF = lax.fori_loop(0, DET_PER_IMG - 1, round_body, win0)
    write_row(DET_PER_IMG - 1, winF)

    @pl.when(sid == 0)
    def _():
        pltpu.sync_copy(outst, outh)


def kernel(boxes, scores):
    n = boxes.shape[0]
    pad = NPAD - n
    b = jnp.pad(boxes, ((0, pad), (0, 0)))
    s = jnp.pad(scores, (0, pad), constant_values=-1.0)

    mesh = plsc.VectorSubcoreMesh(
        core_axis_name="c", subcore_axis_name="s", num_cores=1,
        num_subcores=NT)
    out = pl.kernel(
        _nms_sc_body,
        out_type=jax.ShapeDtypeStruct((OUT_ROWS, L), jnp.float32),
        mesh=mesh,
        compiler_params=pltpu.CompilerParams(needs_layout_passes=False),
        scratch_types=[
            pltpu.VMEM((SHARD,), jnp.float32),
            pltpu.VMEM((SHARD,), jnp.float32),
            pltpu.VMEM((SHARD,), jnp.float32),
            pltpu.VMEM((SHARD,), jnp.float32),
            pltpu.VMEM((SHARD,), jnp.float32),
            pltpu.VMEM((SHARD,), jnp.float32),
            pltpu.VMEM((L,), jnp.float32),
            pltpu.VMEM((NT * L,), jnp.float32),
            pltpu.VMEM((OUT_ROWS, L), jnp.float32),
            pltpu.VMEM_SHARED((2, NT * L), jnp.float32),
            pltpu.SemaphoreType.DMA,
        ],
    )(b[:, 0], b[:, 1], b[:, 2], b[:, 3], s)
    return out[:DET_PER_IMG, :5]

# --- scband reference (transcript-rebuilt; emitter-appended) ---
"""Pipeline reference for scband-dense-cap-ro-iheads-78056735637517 (READ-ONLY COPY).

The authoritative reference and input builder live on the scoring server;
editing this copy changes nothing except your own understanding.
"""

import jax, jax.numpy as jnp
import numpy as np

SCORE_THRESH = 0.05
NMS_THRESH = 0.5
DET_PER_IMG = 100
N = 20000
NEG = jnp.float32(-1e10)


def setup_inputs(seed: int = 0) -> dict:
    key = jax.random.key(seed)
    k1, k2, k3, k4 = jax.random.split(key, 4)
    # Valid boxes in xyxy format inside a ~512x512 image
    x1 = jax.random.uniform(k1, (N,), minval=0.0, maxval=448.0)
    y1 = jax.random.uniform(k2, (N,), minval=0.0, maxval=448.0)
    wh = jax.random.uniform(k3, (N, 2), minval=4.0, maxval=64.0)
    boxes = jnp.stack([x1, y1, x1 + wh[:, 0], y1 + wh[:, 1]], axis=1).astype(jnp.float32)
    scores = jax.random.uniform(k4, (N,), dtype=jnp.float32)
    return {"boxes": boxes, "scores": scores}


def _iou_one_to_many(box, boxes):
    # box: [4], boxes: [M, 4], xyxy
    area1 = (box[2] - box[0]) * (box[3] - box[1])
    areas = (boxes[:, 2] - boxes[:, 0]) * (boxes[:, 3] - boxes[:, 1])
    lt = jnp.maximum(box[:2], boxes[:, :2])
    rb = jnp.minimum(box[2:], boxes[:, 2:])
    wh = jnp.clip(rb - lt, 0.0)
    inter = wh[:, 0] * wh[:, 1]
    return inter / (area1 + areas - inter + 1e-9)


def reference(boxes, scores):
    # Faithful greedy NMS as in DenseCapRoIHeads.postprocess_detections:
    # 1) drop low-scoring boxes (score_thresh)
    # 2) greedy NMS with IoU threshold nms_thresh
    # 3) keep top detections_per_img detections
    n = boxes.shape[0]
    work = jnp.where(scores > SCORE_THRESH, scores, NEG)
    idx_range = jnp.arange(n)

    def step(work, _):
        idx = jnp.argmax(work)
        s = work[idx]
        box = boxes[idx]
        iou = _iou_one_to_many(box, boxes)
        suppress = (iou > NMS_THRESH) | (idx_range == idx)
        new_work = jnp.where(suppress, NEG, work)
        valid = s > (NEG * 0.5)
        row = jnp.where(valid, jnp.concatenate([box, s[None]], axis=0), jnp.zeros((5,), dtype=boxes.dtype))
        return new_work, row

    _, dets = jax.lax.scan(step, work, None, length=DET_PER_IMG)
    return dets  # [DET_PER_IMG, 5] = (x1, y1, x2, y2, score)

if __name__ == "__main__":
    import jax
    _d = setup_inputs()
    print(jax.jit(kernel)(*tuple(_d.values())))

</pallas_src>

<mosaic_0001>
#map = affine_map<(d0, d1) -> (0)>
#map1 = affine_map<(d0, d1) -> (0, 0)>
module attributes {stable_mosaic.version = 14 : i64} {
  func.func @_rewritten_body(%arg0: i32, %arg1: i32, %arg2: memref<20480xf32, #tpu.memory_space<hbm>>, %arg3: memref<20480xf32, #tpu.memory_space<hbm>>, %arg4: memref<20480xf32, #tpu.memory_space<hbm>>, %arg5: memref<20480xf32, #tpu.memory_space<hbm>>, %arg6: memref<20480xf32, #tpu.memory_space<hbm>>, %arg7: memref<1xf32, #tpu.memory_space<hbm>>, %arg8: memref<104x16xf32, #tpu.memory_space<hbm>>, %arg9: memref<1280xf32, #tpu.memory_space<vmem>>, %arg10: memref<1280xf32, #tpu.memory_space<vmem>>, %arg11: memref<1280xf32, #tpu.memory_space<vmem>>, %arg12: memref<1280xf32, #tpu.memory_space<vmem>>, %arg13: memref<1280xf32, #tpu.memory_space<vmem>>, %arg14: memref<1280xf32, #tpu.memory_space<vmem>>, %arg15: memref<16xf32, #tpu.memory_space<vmem>>, %arg16: memref<256xf32, #tpu.memory_space<vmem>>, %arg17: memref<104x16xf32, #tpu.memory_space<vmem>>, %arg18: memref<2x256xf32, #tpu.memory_space<vmem_shared>>, %arg19: memref<!tpu.dma_semaphore, #tpu.memory_space<semaphore_mem>>) attributes {dimension_semantics = [#tpu.dimension_semantics<core_parallel>, #tpu.dimension_semantics<subcore_parallel>], iteration_bounds = array<i64: 1, 16>, scalar_prefetch = 0 : i64, scratch_operands = 11 : i64, tpu.core_type = #tpu.core_type<sc_vector_subcore>, window_params = [{transform_indices = #map}, {transform_indices = #map}, {transform_indices = #map}, {transform_indices = #map}, {transform_indices = #map}, {transform_indices = #map}, {transform_indices = #map1}]} {
    %empty_ref3A = memref.alloca() : memref<16xf32, #tpu.memory_space<vmem>>
    "tpu.region"() ({
      %run_scoped3A_126 = tpu.sem_alloc : memref<!tpu.dma_semaphore, #tpu.memory_space<semaphore_mem>>
      %dma_start3A_127 = arith.constant 0 : i32
      %dma_start3A_128 = tpu.memref_slice %empty_ref3A[%dma_start3A_127] : memref<16xf32, #tpu.memory_space<vmem>> -> memref<1xf32, #tpu.memory_space<vmem>>
      %dma_start3A_129 = arith.constant 0 : i32
      %dma_start3A_130 = tpu.memref_slice %empty_ref3A[%dma_start3A_129] : memref<16xf32, #tpu.memory_space<vmem>> -> memref<1xf32, #tpu.memory_space<vmem>>
      tpu.enqueue_dma source(%arg7 : memref<1xf32, #tpu.memory_space<hbm>>) target(%dma_start3A_130 : memref<1xf32, #tpu.memory_space<vmem>>) target_semaphore(%run_scoped3A_126 : memref<!tpu.dma_semaphore, #tpu.memory_space<semaphore_mem>>)
      %dma_wait3A_131 = arith.constant 0 : i32
      %dma_wait3A_132 = tpu.memref_slice %empty_ref3A[%dma_wait3A_131] : memref<16xf32, #tpu.memory_space<vmem>> -> memref<1xf32, #tpu.memory_space<vmem>>
      %dma_wait3A_133 = arith.constant 0 : i32
      %dma_wait3A_134 = tpu.memref_slice %empty_ref3A[%dma_wait3A_133] : memref<16xf32, #tpu.memory_space<vmem>> -> memref<1xf32, #tpu.memory_space<vmem>>
      tpu.wait_dma2 semaphore(%run_scoped3A_126 : memref<!tpu.dma_semaphore, #tpu.memory_space<semaphore_mem>>) src(%arg7 : memref<1xf32, #tpu.memory_space<hbm>>) dst(%dma_wait3A_134 : memref<1xf32, #tpu.memory_space<vmem>>)
      tpu.yield
    }) : () -> ()
    %get3A = arith.constant 0 : index
    %get3A_0 = tpu.vector_load %empty_ref3A[%get3A] {strides = array<i32>} : memref<16xf32, #tpu.memory_space<vmem>>, vector<16xf32>,
    %slice3A = vector.extract_strided_slice %get3A_0 {offsets = [0], sizes = [1], strides = [1]} : vector<16xf32> to vector<1xf32>
    %squeeze3A = vector.extract %slice3A[0] : f32 from vector<1xf32>
    %iota3A = tpu.iota {dimensions = array<i32: 0>} : vector<16xi32>
    %broadcast_in_dim3A = vector.broadcast %squeeze3A : f32 to vector<16xf32>
    %broadcast_in_dim3A_1 = arith.constant 0.000000e+00 : f32
    %broadcast_in_dim3A_2 = vector.broadcast %broadcast_in_dim3A_1 : f32 to vector<16xf32>
    %mul3A = arith.constant 1280 : i32
    %mul3A_3 = arith.muli %arg1, %mul3A : i32
    %dma_start3A = tpu.memref_slice %arg2[%mul3A_3] : memref<20480xf32, #tpu.memory_space<hbm>> -> memref<1280xf32, #tpu.memory_space<hbm>>
    %dma_start3A_4 = tpu.memref_slice %arg2[%mul3A_3] : memref<20480xf32, #tpu.memory_space<hbm>> -> memref<1280xf32, #tpu.memory_space<hbm>>
    tpu.enqueue_dma source(%dma_start3A_4 : memref<1280xf32, #tpu.memory_space<hbm>>) target(%arg9 : memref<1280xf32, #tpu.memory_space<vmem>>) target_semaphore(%arg19 : memref<!tpu.dma_semaphore, #tpu.memory_space<semaphore_mem>>)
    %dma_start3A_5 = tpu.memref_slice %arg3[%mul3A_3] : memref<20480xf32, #tpu.memory_space<hbm>> -> memref<1280xf32, #tpu.memory_space<hbm>>
    %dma_start3A_6 = tpu.memref_slice %arg3[%mul3A_3] : memref<20480xf32, #tpu.memory_space<hbm>> -> memref<1280xf32, #tpu.memory_space<hbm>>
    tpu.enqueue_dma source(%dma_start3A_6 : memref<1280xf32, #tpu.memory_space<hbm>>) target(%arg10 : memref<1280xf32, #tpu.memory_space<vmem>>) target_semaphore(%arg19 : memref<!tpu.dma_semaphore, #tpu.memory_space<semaphore_mem>>)
    %dma_start3A_7 = tpu.memref_slice %arg4[%mul3A_3] : memref<20480xf32, #tpu.memory_space<hbm>> -> memref<1280xf32, #tpu.memory_space<hbm>>
    %dma_start3A_8 = tpu.memref_slice %arg4[%mul3A_3] : memref<20480xf32, #tpu.memory_space<hbm>> -> memref<1280xf32, #tpu.memory_space<hbm>>
    tpu.enqueue_dma source(%dma_start3A_8 : memref<1280xf32, #tpu.memory_space<hbm>>) target(%arg11 : memref<1280xf32, #tpu.memory_space<vmem>>) target_semaphore(%arg19 : memref<!tpu.dma_semaphore, #tpu.memory_space<semaphore_mem>>)
    %dma_start3A_9 = tpu.memref_slice %arg5[%mul3A_3] : memref<20480xf32, #tpu.memory_space<hbm>> -> memref<1280xf32, #tpu.memory_space<hbm>>
    %dma_start3A_10 = tpu.memref_slice %arg5[%mul3A_3] : memref<20480xf32, #tpu.memory_space<hbm>> -> memref<1280xf32, #tpu.memory_space<hbm>>
    tpu.enqueue_dma source(%dma_start3A_10 : memref<1280xf32, #tpu.memory_space<hbm>>) target(%arg12 : memref<1280xf32, #tpu.memory_space<vmem>>) target_semaphore(%arg19 : memref<!tpu.dma_semaphore, #tpu.memory_space<semaphore_mem>>)
    %dma_start3A_11 = tpu.memref_slice %arg6[%mul3A_3] : memref<20480xf32, #tpu.memory_space<hbm>> -> memref<1280xf32, #tpu.memory_space<hbm>>
    %dma_start3A_12 = tpu.memref_slice %arg6[%mul3A_3] : memref<20480xf32, #tpu.memory_space<hbm>> -> memref<1280xf32, #tpu.memory_space<hbm>>
    tpu.enqueue_dma source(%dma_start3A_12 : memref<1280xf32, #tpu.memory_space<hbm>>) target(%arg14 : memref<1280xf32, #tpu.memory_space<vmem>>) target_semaphore(%arg19 : memref<!tpu.dma_semaphore, #tpu.memory_space<semaphore_mem>>)
    %dma_wait3A = tpu.memref_slice %arg2[%mul3A_3] : memref<20480xf32, #tpu.memory_space<hbm>> -> memref<1280xf32, #tpu.memory_space<hbm>>
    %dma_wait3A_13 = tpu.memref_slice %arg2[%mul3A_3] : memref<20480xf32, #tpu.memory_space<hbm>> -> memref<1280xf32, #tpu.memory_space<hbm>>
    tpu.wait_dma2 semaphore(%arg19 : memref<!tpu.dma_semaphore, #tpu.memory_space<semaphore_mem>>) src(%dma_wait3A_13 : memref<1280xf32, #tpu.memory_space<hbm>>) dst(%arg9 : memref<1280xf32, #tpu.memory_space<vmem>>)
    %dma_wait3A_14 = tpu.memref_slice %arg3[%mul3A_3] : memref<20480xf32, #tpu.memory_space<hbm>> -> memref<1280xf32, #tpu.memory_space<hbm>>
    %dma_wait3A_15 = tpu.memref_slice %arg3[%mul3A_3] : memref<20480xf32, #tpu.memory_space<hbm>> -> memref<1280xf32, #tpu.memory_space<hbm>>
    tpu.wait_dma2 semaphore(%arg19 : memref<!tpu.dma_semaphore, #tpu.memory_space<semaphore_mem>>) src(%dma_wait3A_15 : memref<1280xf32, #tpu.memory_space<hbm>>) dst(%arg10 : memref<1280xf32, #tpu.memory_space<vmem>>)
    %dma_wait3A_16 = tpu.memref_slice %arg4[%mul3A_3] : memref<20480xf32, #tpu.memory_space<hbm>> -> memref<1280xf32, #tpu.memory_space<hbm>>
    %dma_wait3A_17 = tpu.memref_slice %arg4[%mul3A_3] : memref<20480xf32, #tpu.memory_space<hbm>> -> memref<1280xf32, #tpu.memory_space<hbm>>
    tpu.wait_dma2 semaphore(%arg19 : memref<!tpu.dma_semaphore, #tpu.memory_space<semaphore_mem>>) src(%dma_wait3A_17 : memref<1280xf32, #tpu.memory_space<hbm>>) dst(%arg11 : memref<1280xf32, #tpu.memory_space<vmem>>)
    %dma_wait3A_18 = tpu.memref_slice %arg5[%mul3A_3] : memref<20480xf32, #tpu.memory_space<hbm>> -> memref<1280xf32, #tpu.memory_space<hbm>>
    %dma_wait3A_19 = tpu.memref_slice %arg5[%mul3A_3] : memref<20480xf32, #tpu.memory_space<hbm>> -> memref<1280xf32, #tpu.memory_space<hbm>>
    tpu.wait_dma2 semaphore(%arg19 : memref<!tpu.dma_semaphore, #tpu.memory_space<semaphore_mem>>) src(%dma_wait3A_19 : memref<1280xf32, #tpu.memory_space<hbm>>) dst(%arg12 : memref<1280xf32, #tpu.memory_space<vmem>>)
    %dma_wait3A_20 = tpu.memref_slice %arg6[%mul3A_3] : memref<20480xf32, #tpu.memory_space<hbm>> -> memref<1280xf32, #tpu.memory_space<hbm>>
    %dma_wait3A_21 = tpu.memref_slice %arg6[%mul3A_3] : memref<20480xf32, #tpu.memory_space<hbm>> -> memref<1280xf32, #tpu.memory_space<hbm>>
    tpu.wait_dma2 semaphore(%arg19 : memref<!tpu.dma_semaphore, #tpu.memory_space<semaphore_mem>>) src(%dma_wait3A_21 : memref<1280xf32, #tpu.memory_space<hbm>>) dst(%arg14 : memref<1280xf32, #tpu.memory_space<vmem>>)
    %broadcast_in_dim3A_22 = arith.constant -3.000000e+38 : f32
    %broadcast_in_dim3A_23 = vector.broadcast %broadcast_in_dim3A_22 : f32 to vector<16xf32>
    %broadcast_in_dim3A_24 = arith.constant 20480 : i32
    %broadcast_in_dim3A_25 = vector.broadcast %broadcast_in_dim3A_24 : i32 to vector<16xi32>
    %scan3A = arith.constant 0 : i32
    %scan3A_26 = arith.constant 20 : i32
    %scan3A_27 = arith.addi %scan3A, %scan3A_26 : i32
    %scan3A_28 = arith.constant 1 : i32
    %scan3A_29:2 = scf.for %scan3A_126 = %scan3A to %scan3A_27 step %scan3A_28 iter_args(%scan3A_127 = %broadcast_in_dim3A_23, %scan3A_128 = %broadcast_in_dim3A_25) -> (vector<16xf32>, vector<16xi32>)  : i32 {
      %mul3A_129 = arith.constant 4 : i32
      %mul3A_130 = arith.muli %scan3A_126, %mul3A_129 : i32
      %add3A_131 = arith.constant 0 : i32
      %add3A_132 = arith.addi %mul3A_130, %add3A_131 : i32
      %mul3A_133 = arith.constant 16 : i32
      %mul3A_134 = arith.muli %add3A_132, %mul3A_133 : i32
      %get3A_135 = arith.index_cast %mul3A_134 : i32 to index
      %get3A_136 = tpu.vector_load %arg14[%get3A_135] {strides = array<i32>} : memref<1280xf32, #tpu.memory_space<vmem>>, vector<16xf32>,
      %broadcast_in_dim3A_137 = arith.constant 5.000000e-02 : f32
      %broadcast_in_dim3A_138 = vector.broadcast %broadcast_in_dim3A_137 : f32 to vector<16xf32>
      %gt3A = arith.cmpf ogt, %get3A_136, %broadcast_in_dim3A_138 : vector<16xf32>
      %select_n3A_139 = arith.select %gt3A, %get3A_136, %broadcast_in_dim3A : vector<16xi1>, vector<16xf32>
      %swap3A_140 = arith.index_cast %mul3A_134 : i32 to index
      %swap3A_141 = tpu.vector_load %arg14[%swap3A_140] {strides = array<i32>} : memref<1280xf32, #tpu.memory_space<vmem>>, vector<16xf32>,
      tpu.vector_store %arg14[%swap3A_140], %select_n3A_139 {strides = array<i32>} : memref<1280xf32, #tpu.memory_space<vmem>>, vector<16xf32>,
      %get3A_142 = arith.index_cast %mul3A_134 : i32 to index
      %get3A_143 = tpu.vector_load %arg9[%get3A_142] {strides = array<i32>} : memref<1280xf32, #tpu.memory_space<vmem>>, vector<16xf32>,
      %get3A_144 = arith.index_cast %mul3A_134 : i32 to index
      %get3A_145 = tpu.vector_load %arg10[%get3A_144] {strides = array<i32>} : memref<1280xf32, #tpu.memory_space<vmem>>, vector<16xf32>,
      %get3A_146 = arith.index_cast %mul3A_134 : i32 to index
      %get3A_147 = tpu.vector_load %arg11[%get3A_146] {strides = array<i32>} : memref<1280xf32, #tpu.memory_space<vmem>>, vector<16xf32>,
      %sub3A_148 = arith.subf %get3A_147, %get3A_143 : vector<16xf32>
      %get3A_149 = arith.index_cast %mul3A_134 : i32 to index
      %get3A_150 = tpu.vector_load %arg12[%get3A_149] {strides = array<i32>} : memref<1280xf32, #tpu.memory_space<vmem>>, vector<16xf32>,
      %sub3A_151 = arith.subf %get3A_150, %get3A_145 : vector<16xf32>
      %mul3A_152 = arith.mulf %sub3A_148, %sub3A_151 : vector<16xf32>
      %swap3A_153 = arith.index_cast %mul3A_134 : i32 to index
      %swap3A_154 = tpu.vector_load %arg13[%swap3A_153] {strides = array<i32>} : memref<1280xf32, #tpu.memory_space<vmem>>, vector<16xf32>,
      tpu.vector_store %arg13[%swap3A_153], %mul3A_152 {strides = array<i32>} : memref<1280xf32, #tpu.memory_space<vmem>>, vector<16xf32>,
      %mul3A_155 = arith.constant 16 : i32
      %mul3A_156 = arith.muli %add3A_132, %mul3A_155 : i32
      %add3A_157 = arith.addi %mul3A_3, %mul3A_156 : i32
      %broadcast_in_dim3A_158 = vector.broadcast %add3A_157 : i32 to vector<16xi32>
      %add3A_159 = arith.addi %broadcast_in_dim3A_158, %iota3A : vector<16xi32>
      %gt3A_160 = arith.cmpf ogt, %select_n3A_139, %scan3A_127 : vector<16xf32>
      %select_n3A_161 = arith.select %gt3A_160, %select_n3A_139, %scan3A_127 : vector<16xi1>, vector<16xf32>
      %select_n3A_162 = arith.select %gt3A_160, %add3A_159, %scan3A_128 : vector<16xi1>, vector<16xi32>
      %mul3A_163 = arith.constant 4 : i32
      %mul3A_164 = arith.muli %scan3A_126, %mul3A_163 : i32
      %add3A_165 = arith.constant 1 : i32
      %add3A_166 = arith.addi %mul3A_164, %add3A_165 : i32
      %mul3A_167 = arith.constant 16 : i32
      %mul3A_168 = arith.muli %add3A_166, %mul3A_167 : i32
      %get3A_169 = arith.index_cast %mul3A_168 : i32 to index
      %get3A_170 = tpu.vector_load %arg14[%get3A_169] {strides = array<i32>} : memref<1280xf32, #tpu.memory_space<vmem>>, vector<16xf32>,
      %broadcast_in_dim3A_171 = arith.constant 5.000000e-02 : f32
      %broadcast_in_dim3A_172 = vector.broadcast %broadcast_in_dim3A_171 : f32 to vector<16xf32>
      %gt3A_173 = arith.cmpf ogt, %get3A_170, %broadcast_in_dim3A_172 : vector<16xf32>
      %select_n3A_174 = arith.select %gt3A_173, %get3A_170, %broadcast_in_dim3A : vector<16xi1>, vector<16xf32>
      %swap3A_175 = arith.index_cast %mul3A_168 : i32 to index
      %swap3A_176 = tpu.vector_load %arg14[%swap3A_175] {strides = array<i32>} : memref<1280xf32, #tpu.memory_space<vmem>>, vector<16xf32>,
      tpu.vector_store %arg14[%swap3A_175], %select_n3A_174 {strides = array<i32>} : memref<1280xf32, #tpu.memory_space<vmem>>, vector<16xf32>,
      %get3A_177 = arith.index_cast %mul3A_168 : i32 to index
      %get3A_178 = tpu.vector_load %arg9[%get3A_177] {strides = array<i32>} : memref<1280xf32, #tpu.memory_space<vmem>>, vector<16xf32>,
      %get3A_179 = arith.index_cast %mul3A_168 : i32 to index
      %get3A_180 = tpu.vector_load %arg10[%get3A_179] {strides = array<i32>} : memref<1280xf32, #tpu.memory_space<vmem>>, vector<16xf32>,
      %get3A_181 = arith.index_cast %mul3A_168 : i32 to index
      %get3A_182 = tpu.vector_load %arg11[%get3A_181] {strides = array<i32>} : memref<1280xf32, #tpu.memory_space<vmem>>, vector<16xf32>,
      %sub3A_183 = arith.subf %get3A_182, %get3A_178 : vector<16xf32>
      %get3A_184 = arith.index_cast %mul3A_168 : i32 to index
      %get3A_185 = tpu.vector_load %arg12[%get3A_184] {strides = array<i32>} : memref<1280xf32, #tpu.memory_space<vmem>>, vector<16xf32>,
      %sub3A_186 = arith.subf %get3A_185, %get3A_180 : vector<16xf32>
      %mul3A_187 = arith.mulf %sub3A_183, %sub3A_186 : vector<16xf32>
      %swap3A_188 = arith.index_cast %mul3A_168 : i32 to index
      %swap3A_189 = tpu.vector_load %arg13[%swap3A_188] {strides = array<i32>} : memref<1280xf32, #tpu.memory_space<vmem>>, vector<16xf32>,
      tpu.vector_store %arg13[%swap3A_188], %mul3A_187 {strides = array<i32>} : memref<1280xf32, #tpu.memory_space<vmem>>, vector<16xf32>,
      %mul3A_190 = arith.constant 16 : i32
      %mul3A_191 = arith.muli %add3A_166, %mul3A_190 : i32
      %add3A_192 = arith.addi %mul3A_3, %mul3A_191 : i32
      %broadcast_in_dim3A_193 = vector.broadcast %add3A_192 : i32 to vector<16xi32>
      %add3A_194 = arith.addi %broadcast_in_dim3A_193, %iota3A : vector<16xi32>
      %gt3A_195 = arith.cmpf ogt, %select_n3A_174, %select_n3A_161 : vector<16xf32>
      %select_n3A_196 = arith.select %gt3A_195, %select_n3A_174, %select_n3A_161 : vector<16xi1>, vector<16xf32>
      %select_n3A_197 = arith.select %gt3A_195, %add3A_194, %select_n3A_162 : vector<16xi1>, vector<16xi32>
      %mul3A_198 = arith.constant 4 : i32
      %mul3A_199 = arith.muli %scan3A_126, %mul3A_198 : i32
      %add3A_200 = arith.constant 2 : i32
      %add3A_201 = arith.addi %mul3A_199, %add3A_200 : i32
      %mul3A_202 = arith.constant 16 : i32
      %mul3A_203 = arith.muli %add3A_201, %mul3A_202 : i32
      %get3A_204 = arith.index_cast %mul3A_203 : i32 to index
      %get3A_205 = tpu.vector_load %arg14[%get3A_204] {strides = array<i32>} : memref<1280xf32, #tpu.memory_space<vmem>>, vector<16xf32>,
      %broadcast_in_dim3A_206 = arith.constant 5.000000e-02 : f32
      %broadcast_in_dim3A_207 = vector.broadcast %broadcast_in_dim3A_206 : f32 to vector<16xf32>
      %gt3A_208 = arith.cmpf ogt, %get3A_205, %broadcast_in_dim3A_207 : vector<16xf32>
      %select_n3A_209 = arith.select %gt3A_208, %get3A_205, %broadcast_in_dim3A : vector<16xi1>, vector<16xf32>
      %swap3A_210 = arith.index_cast %mul3A_203 : i32 to index
      %swap3A_211 = tpu.vector_load %arg14[%swap3A_210] {strides = array<i32>} : memref<1280xf32, #tpu.memory_space<vmem>>, vector<16xf32>,
      tpu.vector_store %arg14[%swap3A_210], %select_n3A_209 {strides = array<i32>} : memref<1280xf32, #tpu.memory_space<vmem>>, vector<16xf32>,
      %get3A_212 = arith.index_cast %mul3A_203 : i32 to index
      %get3A_213 = tpu.vector_load %arg9[%get3A_212] {strides = array<i32>} : memref<1280xf32, #tpu.memory_space<vmem>>, vector<16xf32>,
      %get3A_214 = arith.index_cast %mul3A_203 : i32 to index
      %get3A_215 = tpu.vector_load %arg10[%get3A_214] {strides = array<i32>} : memref<1280xf32, #tpu.memory_space<vmem>>, vector<16xf32>,
      %get3A_216 = arith.index_cast %mul3A_203 : i32 to index
      %get3A_217 = tpu.vector_load %arg11[%get3A_216] {strides = array<i32>} : memref<1280xf32, #tpu.memory_space<vmem>>, vector<16xf32>,
      %sub3A_218 = arith.subf %get3A_217, %get3A_213 : vector<16xf32>
      %get3A_219 = arith.index_cast %mul3A_203 : i32 to index
      %get3A_220 = tpu.vector_load %arg12[%get3A_219] {strides = array<i32>} : memref<1280xf32, #tpu.memory_space<vmem>>, vector<16xf32>,
      %sub3A_221 = arith.subf %get3A_220, %get3A_215 : vector<16xf32>
      %mul3A_222 = arith.mulf %sub3A_218, %sub3A_221 : vector<16xf32>
      %swap3A_223 = arith.index_cast %mul3A_203 : i32 to index
      %swap3A_224 = tpu.vector_load %arg13[%swap3A_223] {strides = array<i32>} : memref<1280xf32, #tpu.memory_space<vmem>>, vector<16xf32>,
      tpu.vector_store %arg13[%swap3A_223], %mul3A_222 {strides = array<i32>} : memref<1280xf32, #tpu.memory_space<vmem>>, vector<16xf32>,
      %mul3A_225 = arith.constant 16 : i32
      %mul3A_226 = arith.muli %add3A_201, %mul3A_225 : i32
      %add3A_227 = arith.addi %mul3A_3, %mul3A_226 : i32
      %broadcast_in_dim3A_228 = vector.broadcast %add3A_227 : i32 to vector<16xi32>
      %add3A_229 = arith.addi %broadcast_in_dim3A_228, %iota3A : vector<16xi32>
      %gt3A_230 = arith.cmpf ogt, %select_n3A_209, %select_n3A_196 : vector<16xf32>
      %select_n3A_231 = arith.select %gt3A_230, %select_n3A_209, %select_n3A_196 : vector<16xi1>, vector<16xf32>
      %select_n3A_232 = arith.select %gt3A_230, %add3A_229, %select_n3A_197 : vector<16xi1>, vector<16xi32>
      %mul3A_233 = arith.constant 4 : i32
      %mul3A_234 = arith.muli %scan3A_126, %mul3A_233 : i32
      %add3A_235 = arith.constant 3 : i32
      %add3A_236 = arith.addi %mul3A_234, %add3A_235 : i32
      %mul3A_237 = arith.constant 16 : i32
      %mul3A_238 = arith.muli %add3A_236, %mul3A_237 : i32
      %get3A_239 = arith.index_cast %mul3A_238 : i32 to index
      %get3A_240 = tpu.vector_load %arg14[%get3A_239] {strides = array<i32>} : memref<1280xf32, #tpu.memory_space<vmem>>, vector<16xf32>,
      %broadcast_in_dim3A_241 = arith.constant 5.000000e-02 : f32
      %broadcast_in_dim3A_242 = vector.broadcast %broadcast_in_dim3A_241 : f32 to vector<16xf32>
      %gt3A_243 = arith.cmpf ogt, %get3A_240, %broadcast_in_dim3A_242 : vector<16xf32>
      %select_n3A_244 = arith.select %gt3A_243, %get3A_240, %broadcast_in_dim3A : vector<16xi1>, vector<16xf32>
      %swap3A_245 = arith.index_cast %mul3A_238 : i32 to index
      %swap3A_246 = tpu.vector_load %arg14[%swap3A_245] {strides = array<i32>} : memref<1280xf32, #tpu.memory_space<vmem>>, vector<16xf32>,
      tpu.vector_store %arg14[%swap3A_245], %select_n3A_244 {strides = array<i32>} : memref<1280xf32, #tpu.memory_space<vmem>>, vector<16xf32>,
      %get3A_247 = arith.index_cast %mul3A_238 : i32 to index
      %get3A_248 = tpu.vector_load %arg9[%get3A_247] {strides = array<i32>} : memref<1280xf32, #tpu.memory_space<vmem>>, vector<16xf32>,
      %get3A_249 = arith.index_cast %mul3A_238 : i32 to index
      %get3A_250 = tpu.vector_load %arg10[%get3A_249] {strides = array<i32>} : memref<1280xf32, #tpu.memory_space<vmem>>, vector<16xf32>,
      %get3A_251 = arith.index_cast %mul3A_238 : i32 to index
      %get3A_252 = tpu.vector_load %arg11[%get3A_251] {strides = array<i32>} : memref<1280xf32, #tpu.memory_space<vmem>>, vector<16xf32>,
      %sub3A_253 = arith.subf %get3A_252, %get3A_248 : vector<16xf32>
      %get3A_254 = arith.index_cast %mul3A_238 : i32 to index
      %get3A_255 = tpu.vector_load %arg12[%get3A_254] {strides = array<i32>} : memref<1280xf32, #tpu.memory_space<vmem>>, vector<16xf32>,
      %sub3A_256 = arith.subf %get3A_255, %get3A_250 : vector<16xf32>
      %mul3A_257 = arith.mulf %sub3A_253, %sub3A_256 : vector<16xf32>
      %swap3A_258 = arith.index_cast %mul3A_238 : i32 to index
      %swap3A_259 = tpu.vector_load %arg13[%swap3A_258] {strides = array<i32>} : memref<1280xf32, #tpu.memory_space<vmem>>, vector<16xf32>,
      tpu.vector_store %arg13[%swap3A_258], %mul3A_257 {strides = array<i32>} : memref<1280xf32, #tpu.memory_space<vmem>>, vector<16xf32>,
      %mul3A_260 = arith.constant 16 : i32
      %mul3A_261 = arith.muli %add3A_236, %mul3A_260 : i32
      %add3A_262 = arith.addi %mul3A_3, %mul3A_261 : i32
      %broadcast_in_dim3A_263 = vector.broadcast %add3A_262 : i32 to vector<16xi32>
      %add3A_264 = arith.addi %broadcast_in_dim3A_263, %iota3A : vector<16xi32>
      %gt3A_265 = arith.cmpf ogt, %select_n3A_244, %select_n3A_231 : vector<16xf32>
      %select_n3A_266 = arith.select %gt3A_265, %select_n3A_244, %select_n3A_231 : vector<16xi1>, vector<16xf32>
      %select_n3A_267 = arith.select %gt3A_265, %add3A_264, %select_n3A_232 : vector<16xi1>, vector<16xi32>
      scf.yield %select_n3A_266, %select_n3A_267 : vector<16xf32>, vector<16xi32>
    }
    %scan3A_30 = arith.constant 20 : i32
    %reduce_max3A = arith.constant true
    %reduce_max3A_31 = vector.broadcast %reduce_max3A : i1 to vector<16xi1>
    %reduce_max3A_32 = tpu.scan <max>, %scan3A_29#0 masked %reduce_max3A_31 : vector<16xf32>, vector<16xi1> -> vector<16xf32>
    %reduce_max3A_33 = vector.extract %reduce_max3A_32[15] : f32 from vector<16xf32>
    %broadcast_in_dim3A_34 = vector.broadcast %reduce_max3A_33 : f32 to vector<16xf32>
    %eq3A = arith.cmpf oeq, %scan3A_29#0, %broadcast_in_dim3A_34 : vector<16xf32>
    %broadcast_in_dim3A_35 = arith.constant 20480 : i32
    %broadcast_in_dim3A_36 = vector.broadcast %broadcast_in_dim3A_35 : i32 to vector<16xi32>
    %select_n3A = arith.select %eq3A, %scan3A_29#1, %broadcast_in_dim3A_36 : vector<16xi1>, vector<16xi32>
    %reduce_min3A = arith.constant true
    %reduce_min3A_37 = vector.broadcast %reduce_min3A : i1 to vector<16xi1>
    %reduce_min3A_38 = arith.constant -2147483648 : i32
    %reduce_min3A_39 = vector.broadcast %reduce_min3A_38 : i32 to vector<16xi32>
    %reduce_min3A_40 = arith.xori %select_n3A, %reduce_min3A_39 : vector<16xi32>
    %reduce_min3A_41 = tpu.scan <min>, %reduce_min3A_40 masked %reduce_min3A_37 : vector<16xi32>, vector<16xi1> -> vector<16xi32>
    %reduce_min3A_42 = arith.xori %reduce_min3A_41, %reduce_min3A_39 : vector<16xi32>
    %reduce_min3A_43 = vector.extract %reduce_min3A_42[15] : i32 from vector<16xi32>
    %sub3A = arith.subi %reduce_min3A_43, %mul3A_3 : i32
    %jit3A = arith.constant 0 : i32
    %jit3A_44 = arith.constant 1279 : i32
    %max3A = arith.maxsi %jit3A, %sub3A : i32
    %min3A = arith.minsi %jit3A_44, %max3A : i32
    %broadcast_in_dim3A_45 = vector.broadcast %min3A : i32 to vector<16xi32>
    %gather3A = tpu.vector_load_idx %arg9[%broadcast_in_dim3A_45] : memref<1280xf32, #tpu.memory_space<vmem>>[vector<16xi32>], vector<16xf32>,
    %gather3A_46 = tpu.vector_load_idx %arg10[%broadcast_in_dim3A_45] : memref<1280xf32, #tpu.memory_space<vmem>>[vector<16xi32>], vector<16xf32>,
    %gather3A_47 = tpu.vector_load_idx %arg11[%broadcast_in_dim3A_45] : memref<1280xf32, #tpu.memory_space<vmem>>[vector<16xi32>], vector<16xf32>,
    %gather3A_48 = tpu.vector_load_idx %arg12[%broadcast_in_dim3A_45] : memref<1280xf32, #tpu.memory_space<vmem>>[vector<16xi32>], vector<16xf32>,
    %eq3A_49 = arith.constant 0 : i32
    %eq3A_50 = vector.broadcast %eq3A_49 : i32 to vector<16xi32>
    %eq3A_51 = arith.cmpi eq, %iota3A, %eq3A_50 : vector<16xi32>
    %eq3A_52 = arith.constant 1 : i32
    %eq3A_53 = vector.broadcast %eq3A_52 : i32 to vector<16xi32>
    %eq3A_54 = arith.cmpi eq, %iota3A, %eq3A_53 : vector<16xi32>
    %eq3A_55 = arith.constant 2 : i32
    %eq3A_56 = vector.broadcast %eq3A_55 : i32 to vector<16xi32>
    %eq3A_57 = arith.cmpi eq, %iota3A, %eq3A_56 : vector<16xi32>
    %eq3A_58 = arith.constant 3 : i32
    %eq3A_59 = vector.broadcast %eq3A_58 : i32 to vector<16xi32>
    %eq3A_60 = arith.cmpi eq, %iota3A, %eq3A_59 : vector<16xi32>
    %eq3A_61 = arith.constant 4 : i32
    %eq3A_62 = vector.broadcast %eq3A_61 : i32 to vector<16xi32>
    %eq3A_63 = arith.cmpi eq, %iota3A, %eq3A_62 : vector<16xi32>
    %select_n3A_64 = arith.select %eq3A_63, %gather3A_48, %broadcast_in_dim3A_2 : vector<16xi1>, vector<16xf32>
    %select_n3A_65 = arith.select %eq3A_60, %gather3A_47, %select_n3A_64 : vector<16xi1>, vector<16xf32>
    %select_n3A_66 = arith.select %eq3A_57, %gather3A_46, %select_n3A_65 : vector<16xi1>, vector<16xf32>
    %select_n3A_67 = arith.select %eq3A_54, %gather3A, %select_n3A_66 : vector<16xi1>, vector<16xf32>
    %select_n3A_68 = arith.select %eq3A_51, %broadcast_in_dim3A_34, %select_n3A_67 : vector<16xi1>, vector<16xf32>
    %swap3A = arith.constant 0 : index
    %swap3A_69 = tpu.vector_load %arg15[%swap3A] {strides = array<i32>} : memref<16xf32, #tpu.memory_space<vmem>>, vector<16xf32>,
    tpu.vector_store %arg15[%swap3A], %select_n3A_68 {strides = array<i32>} : memref<16xf32, #tpu.memory_space<vmem>>, vector<16xf32>,
    %mul3A_70 = arith.constant 16 : i32
    %mul3A_71 = arith.muli %arg1, %mul3A_70 : i32
    %run_scoped3A = arith.constant 0 : i32
    "tpu.region"() ({
      %run_scoped3A_126 = tpu.sem_alloc : memref<!tpu.dma_semaphore, #tpu.memory_space<semaphore_mem>>
      %dma_start3A_127 = tpu.memref_slice %arg18[%run_scoped3A, %mul3A_71] : memref<2x256xf32, #tpu.memory_space<vmem_shared>> -> memref<1x16xf32, #tpu.memory_space<vmem_shared>>
      %dma_start3A_128 = tpu.memref_squeeze %dma_start3A_127 : memref<1x16xf32, #tpu.memory_space<vmem_shared>> -> memref<16xf32, #tpu.memory_space<vmem_shared>>
      %dma_start3A_129 = tpu.memref_slice %arg18[%run_scoped3A, %mul3A_71] : memref<2x256xf32, #tpu.memory_space<vmem_shared>> -> memref<1x16xf32, #tpu.memory_space<vmem_shared>>
      %dma_start3A_130 = tpu.memref_squeeze %dma_start3A_129 : memref<1x16xf32, #tpu.memory_space<vmem_shared>> -> memref<16xf32, #tpu.memory_space<vmem_shared>>
      tpu.enqueue_dma source(%arg15 : memref<16xf32, #tpu.memory_space<vmem>>) target(%dma_start3A_130 : memref<16xf32, #tpu.memory_space<vmem_shared>>) target_semaphore(%run_scoped3A_126 : memref<!tpu.dma_semaphore, #tpu.memory_space<semaphore_mem>>)
      %dma_wait3A_131 = tpu.memref_slice %arg18[%run_scoped3A, %mul3A_71] : memref<2x256xf32, #tpu.memory_space<vmem_shared>> -> memref<1x16xf32, #tpu.memory_space<vmem_shared>>
      %dma_wait3A_132 = tpu.memref_squeeze %dma_wait3A_131 : memref<1x16xf32, #tpu.memory_space<vmem_shared>> -> memref<16xf32, #tpu.memory_space<vmem_shared>>
      %dma_wait3A_133 = tpu.memref_slice %arg18[%run_scoped3A, %mul3A_71] : memref<2x256xf32, #tpu.memory_space<vmem_shared>> -> memref<1x16xf32, #tpu.memory_space<vmem_shared>>
      %dma_wait3A_134 = tpu.memref_squeeze %dma_wait3A_133 : memref<1x16xf32, #tpu.memory_space<vmem_shared>> -> memref<16xf32, #tpu.memory_space<vmem_shared>>
      tpu.wait_dma2 semaphore(%run_scoped3A_126 : memref<!tpu.dma_semaphore, #tpu.memory_space<semaphore_mem>>) src(%arg15 : memref<16xf32, #tpu.memory_space<vmem>>) dst(%dma_wait3A_134 : memref<16xf32, #tpu.memory_space<vmem_shared>>)
      tpu.yield
    }) : () -> ()
    %barrier3A = arith.constant 0 : index
    tpu.barrier barrier_id(%barrier3A)
    %run_scoped3A_72 = arith.constant 0 : i32
    "tpu.region"() ({
      %run_scoped3A_126 = tpu.sem_alloc : memref<!tpu.dma_semaphore, #tpu.memory_space<semaphore_mem>>
      %dma_start3A_127 = arith.constant 0 : i32
      %dma_start3A_128 = tpu.memref_slice %arg18[%run_scoped3A_72, %dma_start3A_127] : memref<2x256xf32, #tpu.memory_space<vmem_shared>> -> memref<1x256xf32, #tpu.memory_space<vmem_shared>>
      %dma_start3A_129 = tpu.memref_squeeze %dma_start3A_128 : memref<1x256xf32, #tpu.memory_space<vmem_shared>> -> memref<256xf32, #tpu.memory_space<vmem_shared>>
      %dma_start3A_130 = arith.constant 0 : i32
      %dma_start3A_131 = tpu.memref_slice %arg18[%run_scoped3A_72, %dma_start3A_130] : memref<2x256xf32, #tpu.memory_space<vmem_shared>> -> memref<1x256xf32, #tpu.memory_space<vmem_shared>>
      %dma_start3A_132 = tpu.memref_squeeze %dma_start3A_131 : memref<1x256xf32, #tpu.memory_space<vmem_shared>> -> memref<256xf32, #tpu.memory_space<vmem_shared>>
      tpu.enqueue_dma source(%dma_start3A_132 : memref<256xf32, #tpu.memory_space<vmem_shared>>) target(%arg16 : memref<256xf32, #tpu.memory_space<vmem>>) target_semaphore(%run_scoped3A_126 : memref<!tpu.dma_semaphore, #tpu.memory_space<semaphore_mem>>)
      %dma_wait3A_133 = arith.constant 0 : i32
      %dma_wait3A_134 = tpu.memref_slice %arg18[%run_scoped3A_72, %dma_wait3A_133] : memref<2x256xf32, #tpu.memory_space<vmem_shared>> -> memref<1x256xf32, #tpu.memory_space<vmem_shared>>
      %dma_wait3A_135 = tpu.memref_squeeze %dma_wait3A_134 : memref<1x256xf32, #tpu.memory_space<vmem_shared>> -> memref<256xf32, #tpu.memory_space<vmem_shared>>
      %dma_wait3A_136 = arith.constant 0 : i32
      %dma_wait3A_137 = tpu.memref_slice %arg18[%run_scoped3A_72, %dma_wait3A_136] : memref<2x256xf32, #tpu.memory_space<vmem_shared>> -> memref<1x256xf32, #tpu.memory_space<vmem_shared>>
      %dma_wait3A_138 = tpu.memref_squeeze %dma_wait3A_137 : memref<1x256xf32, #tpu.memory_space<vmem_shared>> -> memref<256xf32, #tpu.memory_space<vmem_shared>>
      tpu.wait_dma2 semaphore(%run_scoped3A_126 : memref<!tpu.dma_semaphore, #tpu.memory_space<semaphore_mem>>) src(%dma_wait3A_138 : memref<256xf32, #tpu.memory_space<vmem_shared>>) dst(%arg16 : memref<256xf32, #tpu.memory_space<vmem>>)
      tpu.yield
    }) : () -> ()
    %mul3A_73 = arith.constant 16 : i32
    %mul3A_74 = vector.broadcast %mul3A_73 : i32 to vector<16xi32>
    %mul3A_75 = arith.muli %iota3A, %mul3A_74 : vector<16xi32>
    %gather3A_76 = tpu.vector_load_idx %arg16[%mul3A_75] : memref<256xf32, #tpu.memory_space<vmem>>[vector<16xi32>], vector<16xf32>,
    %reduce_max3A_77 = arith.constant true
    %reduce_max3A_78 = vector.broadcast %reduce_max3A_77 : i1 to vector<16xi1>
    %reduce_max3A_79 = tpu.scan <max>, %gather3A_76 masked %reduce_max3A_78 : vector<16xf32>, vector<16xi1> -> vector<16xf32>
    %reduce_max3A_80 = vector.extract %reduce_max3A_79[15] : f32 from vector<16xf32>
    %broadcast_in_dim3A_81 = vector.broadcast %reduce_max3A_80 : f32 to vector<16xf32>
    %eq3A_82 = arith.cmpf oeq, %gather3A_76, %broadcast_in_dim3A_81 : vector<16xf32>
    %broadcast_in_dim3A_83 = arith.constant 99 : i32
    %broadcast_in_dim3A_84 = vector.broadcast %broadcast_in_dim3A_83 : i32 to vector<16xi32>
    %select_n3A_85 = arith.select %eq3A_82, %iota3A, %broadcast_in_dim3A_84 : vector<16xi1>, vector<16xi32>
    %reduce_min3A_86 = arith.constant true
    %reduce_min3A_87 = vector.broadcast %reduce_min3A_86 : i1 to vector<16xi1>
    %reduce_min3A_88 = arith.constant -2147483648 : i32
    %reduce_min3A_89 = vector.broadcast %reduce_min3A_88 : i32 to vector<16xi32>
    %reduce_min3A_90 = arith.xori %select_n3A_85, %reduce_min3A_89 : vector<16xi32>
    %reduce_min3A_91 = tpu.scan <min>, %reduce_min3A_90 masked %reduce_min3A_87 : vector<16xi32>, vector<16xi1> -> vector<16xi32>
    %reduce_min3A_92 = arith.xori %reduce_min3A_91, %reduce_min3A_89 : vector<16xi32>
    %reduce_min3A_93 = vector.extract %reduce_min3A_92[15] : i32 from vector<16xi32>
    %mul3A_94 = arith.constant 16 : i32
    %mul3A_95 = arith.muli %reduce_min3A_93, %mul3A_94 : i32
    %broadcast_in_dim3A_96 = vector.broadcast %mul3A_95 : i32 to vector<16xi32>
    %add3A = arith.constant 1 : i32
    %add3A_97 = vector.broadcast %add3A : i32 to vector<16xi32>
    %add3A_98 = arith.addi %broadcast_in_dim3A_96, %add3A_97 : vector<16xi32>
    %gather3A_99 = tpu.vector_load_idx %arg16[%add3A_98] : memref<256xf32, #tpu.memory_space<vmem>>[vector<16xi32>], vector<16xf32>,
    %add3A_100 = arith.constant 2 : i32
    %add3A_101 = vector.broadcast %add3A_100 : i32 to vector<16xi32>
    %add3A_102 = arith.addi %broadcast_in_dim3A_96, %add3A_101 : vector<16xi32>
    %gather3A_103 = tpu.vector_load_idx %arg16[%add3A_102] : memref<256xf32, #tpu.memory_space<vmem>>[vector<16xi32>], vector<16xf32>,
    %add3A_104 = arith.constant 3 : i32
    %add3A_105 = vector.broadcast %add3A_104 : i32 to vector<16xi32>
    %add3A_106 = arith.addi %broadcast_in_dim3A_96, %add3A_105 : vector<16xi32>
    %gather3A_107 = tpu.vector_load_idx %arg16[%add3A_106] : memref<256xf32, #tpu.memory_space<vmem>>[vector<16xi32>], vector<16xf32>,
    %add3A_108 = arith.constant 4 : i32
    %add3A_109 = vector.broadcast %add3A_108 : i32 to vector<16xi32>
    %add3A_110 = arith.addi %broadcast_in_dim3A_96, %add3A_109 : vector<16xi32>
    %gather3A_111 = tpu.vector_load_idx %arg16[%add3A_110] : memref<256xf32, #tpu.memory_space<vmem>>[vector<16xi32>], vector<16xf32>,
    %scan3A_112 = arith.constant 0 : i32
    %scan3A_113 = arith.constant 99 : i32
    %scan3A_114 = arith.addi %scan3A_112, %scan3A_113 : i32
    %scan3A_115 = arith.constant 1 : i32
    %scan3A_116:7 = scf.for %scan3A_126 = %scan3A_112 to %scan3A_114 step %scan3A_115 iter_args(%scan3A_127 = %reduce_min3A_93, %scan3A_128 = %min3A, %scan3A_129 = %broadcast_in_dim3A_81, %scan3A_130 = %gather3A_99, %scan3A_131 = %gather3A_103, %scan3A_132 = %gather3A_107, %scan3A_133 = %gather3A_111) -> (i32, i32, vector<16xf32>, vector<16xf32>, vector<16xf32>, vector<16xf32>, vector<16xf32>)  : i32 {
      %eq3A_134 = arith.cmpi eq, %arg1, %scan3A_127 : i32
      %convert_element_type3A_135 = arith.extui %eq3A_134 : i1 to i32
      %cond3A_136 = arith.constant 0 : i32
      %cond3A_137 = arith.cmpi ne, %convert_element_type3A_135, %cond3A_136 : i32
      scf.if %cond3A_137 {
        %broadcast_in_dim3A_258 = vector.broadcast %scan3A_128 : i32 to vector<16xi32>
        %eq3A_259 = arith.constant 0 : i32
        %eq3A_260 = vector.broadcast %eq3A_259 : i32 to vector<16xi32>
        %eq3A_261 = arith.cmpi eq, %iota3A, %eq3A_260 : vector<16xi32>
        tpu.vector_store_idx %arg14[%broadcast_in_dim3A_258], %broadcast_in_dim3A masked %eq3A_261 : memref<1280xf32, #tpu.memory_space<vmem>>[vector<16xi32>], vector<16xf32>, vector<16xi1>
      } else {
      }
      %sub3A_138 = arith.subf %scan3A_132, %scan3A_130 : vector<16xf32>
      %sub3A_139 = arith.subf %scan3A_133, %scan3A_131 : vector<16xf32>
      %mul3A_140 = arith.mulf %sub3A_138, %sub3A_139 : vector<16xf32>
      %scan3A_141 = arith.constant 0 : i32
      %scan3A_142 = arith.constant 20 : i32
      %scan3A_143 = arith.addi %scan3A_141, %scan3A_142 : i32
      %scan3A_144 = arith.constant 1 : i32
      %scan3A_145:2 = scf.for %scan3A_258 = %scan3A_141 to %scan3A_143 step %scan3A_144 iter_args(%scan3A_259 = %broadcast_in_dim3A_23, %scan3A_260 = %broadcast_in_dim3A_25) -> (vector<16xf32>, vector<16xi32>)  : i32 {
        %mul3A_261 = arith.constant 4 : i32
        %mul3A_262 = arith.muli %scan3A_258, %mul3A_261 : i32
        %add3A_263 = arith.constant 0 : i32
        %add3A_264 = arith.addi %mul3A_262, %add3A_263 : i32
        %mul3A_265 = arith.constant 16 : i32
        %mul3A_266 = arith.muli %add3A_264, %mul3A_265 : i32
        %get3A_267 = arith.index_cast %mul3A_266 : i32 to index
        %get3A_268 = tpu.vector_load %arg14[%get3A_267] {strides = array<i32>} : memref<1280xf32, #tpu.memory_space<vmem>>, vector<16xf32>,
        %get3A_269 = arith.index_cast %mul3A_266 : i32 to index
        %get3A_270 = tpu.vector_load %arg11[%get3A_269] {strides = array<i32>} : memref<1280xf32, #tpu.memory_space<vmem>>, vector<16xf32>,
        %min3A_271 = arith.minimumf %scan3A_132, %get3A_270 : vector<16xf32>
        %get3A_272 = arith.index_cast %mul3A_266 : i32 to index
        %get3A_273 = tpu.vector_load %arg9[%get3A_272] {strides = array<i32>} : memref<1280xf32, #tpu.memory_space<vmem>>, vector<16xf32>,
        %max3A_274 = arith.maximumf %scan3A_130, %get3A_273 : vector<16xf32>
        %sub3A_275 = arith.subf %min3A_271, %max3A_274 : vector<16xf32>
        %max3A_276 = arith.maximumf %sub3A_275, %broadcast_in_dim3A_2 : vector<16xf32>
        %get3A_277 = arith.index_cast %mul3A_266 : i32 to index
        %get3A_278 = tpu.vector_load %arg12[%get3A_277] {strides = array<i32>} : memref<1280xf32, #tpu.memory_space<vmem>>, vector<16xf32>,
        %min3A_279 = arith.minimumf %scan3A_133, %get3A_278 : vector<16xf32>
        %get3A_280 = arith.index_cast %mul3A_266 : i32 to index
        %get3A_281 = tpu.vector_load %arg10[%get3A_280] {strides = array<i32>} : memref<1280xf32, #tpu.memory_space<vmem>>, vector<16xf32>,
        %max3A_282 = arith.maximumf %scan3A_131, %get3A_281 : vector<16xf32>
        %sub3A_283 = arith.subf %min3A_279, %max3A_282 : vector<16xf32>
        %max3A_284 = arith.maximumf %sub3A_283, %broadcast_in_dim3A_2 : vector<16xf32>
        %mul3A_285 = arith.mulf %max3A_276, %max3A_284 : vector<16xf32>
        %get3A_286 = arith.index_cast %mul3A_266 : i32 to index
        %get3A_287 = tpu.vector_load %arg13[%get3A_286] {strides = array<i32>} : memref<1280xf32, #tpu.memory_space<vmem>>, vector<16xf32>,
        %add3A_288 = arith.addf %mul3A_140, %get3A_287 : vector<16xf32>
        %sub3A_289 = arith.subf %add3A_288, %mul3A_285 : vector<16xf32>
        %broadcast_in_dim3A_290 = arith.constant 9.99999971E-10 : f32
        %broadcast_in_dim3A_291 = vector.broadcast %broadcast_in_dim3A_290 : f32 to vector<16xf32>
        %add3A_292 = arith.addf %sub3A_289, %broadcast_in_dim3A_291 : vector<16xf32>
        %div3A = arith.divf %mul3A_285, %add3A_292 : vector<16xf32>
        %broadcast_in_dim3A_293 = arith.constant 5.000000e-01 : f32
        %broadcast_in_dim3A_294 = vector.broadcast %broadcast_in_dim3A_293 : f32 to vector<16xf32>
        %gt3A = arith.cmpf ogt, %div3A, %broadcast_in_dim3A_294 : vector<16xf32>
        %select_n3A_295 = arith.select %gt3A, %broadcast_in_dim3A, %get3A_268 : vector<16xi1>, vector<16xf32>
        %swap3A_296 = arith.index_cast %mul3A_266 : i32 to index
        %swap3A_297 = tpu.vector_load %arg14[%swap3A_296] {strides = array<i32>} : memref<1280xf32, #tpu.memory_space<vmem>>, vector<16xf32>,
        tpu.vector_store %arg14[%swap3A_296], %select_n3A_295 {strides = array<i32>} : memref<1280xf32, #tpu.memory_space<vmem>>, vector<16xf32>,
        %mul3A_298 = arith.constant 16 : i32
        %mul3A_299 = arith.muli %add3A_264, %mul3A_298 : i32
        %add3A_300 = arith.addi %mul3A_3, %mul3A_299 : i32
        %broadcast_in_dim3A_301 = vector.broadcast %add3A_300 : i32 to vector<16xi32>
        %add3A_302 = arith.addi %broadcast_in_dim3A_301, %iota3A : vector<16xi32>
        %gt3A_303 = arith.cmpf ogt, %select_n3A_295, %scan3A_259 : vector<16xf32>
        %select_n3A_304 = arith.select %gt3A_303, %select_n3A_295, %scan3A_259 : vector<16xi1>, vector<16xf32>
        %select_n3A_305 = arith.select %gt3A_303, %add3A_302, %scan3A_260 : vector<16xi1>, vector<16xi32>
        %mul3A_306 = arith.constant 4 : i32
        %mul3A_307 = arith.muli %scan3A_258, %mul3A_306 : i32
        %add3A_308 = arith.constant 1 : i32
        %add3A_309 = arith.addi %mul3A_307, %add3A_308 : i32
        %mul3A_310 = arith.constant 16 : i32
        %mul3A_311 = arith.muli %add3A_309, %mul3A_310 : i32
        %get3A_312 = arith.index_cast %mul3A_311 : i32 to index
        %get3A_313 = tpu.vector_load %arg14[%get3A_312] {strides = array<i32>} : memref<1280xf32, #tpu.memory_space<vmem>>, vector<16xf32>,
        %get3A_314 = arith.index_cast %mul3A_311 : i32 to index
        %get3A_315 = tpu.vector_load %arg11[%get3A_314] {strides = array<i32>} : memref<1280xf32, #tpu.memory_space<vmem>>, vector<16xf32>,
        %min3A_316 = arith.minimumf %scan3A_132, %get3A_315 : vector<16xf32>
        %get3A_317 = arith.index_cast %mul3A_311 : i32 to index
        %get3A_318 = tpu.vector_load %arg9[%get3A_317] {strides = array<i32>} : memref<1280xf32, #tpu.memory_space<vmem>>, vector<16xf32>,
        %max3A_319 = arith.maximumf %scan3A_130, %get3A_318 : vector<16xf32>
        %sub3A_320 = arith.subf %min3A_316, %max3A_319 : vector<16xf32>
        %max3A_321 = arith.maximumf %sub3A_320, %broadcast_in_dim3A_2 : vector<16xf32>
        %get3A_322 = arith.index_cast %mul3A_311 : i32 to index
        %get3A_323 = tpu.vector_load %arg12[%get3A_322] {strides = array<i32>} : memref<1280xf32, #tpu.memory_space<vmem>>, vector<16xf32>,
        %min3A_324 = arith.minimumf %scan3A_133, %get3A_323 : vector<16xf32>
        %get3A_325 = arith.index_cast %mul3A_311 : i32 to index
        %get3A_326 = tpu.vector_load %arg10[%get3A_325] {strides = array<i32>} : memref<1280xf32, #tpu.memory_space<vmem>>, vector<16xf32>,
        %max3A_327 = arith.maximumf %scan3A_131, %get3A_326 : vector<16xf32>
        %sub3A_328 = arith.subf %min3A_324, %max3A_327 : vector<16xf32>
        %max3A_329 = arith.maximumf %sub3A_328, %broadcast_in_dim3A_2 : vector<16xf32>
        %mul3A_330 = arith.mulf %max3A_321, %max3A_329 : vector<16xf32>
        %get3A_331 = arith.index_cast %mul3A_311 : i32 to index
        %get3A_332 = tpu.vector_load %arg13[%get3A_331] {strides = array<i32>} : memref<1280xf32, #tpu.memory_space<vmem>>, vector<16xf32>,
        %add3A_333 = arith.addf %mul3A_140, %get3A_332 : vector<16xf32>
        %sub3A_334 = arith.subf %add3A_333, %mul3A_330 : vector<16xf32>
        %broadcast_in_dim3A_335 = arith.constant 9.99999971E-10 : f32
        %broadcast_in_dim3A_336 = vector.broadcast %broadcast_in_dim3A_335 : f32 to vector<16xf32>
        %add3A_337 = arith.addf %sub3A_334, %broadcast_in_dim3A_336 : vector<16xf32>
        %div3A_338 = arith.divf %mul3A_330, %add3A_337 : vector<16xf32>
        %broadcast_in_dim3A_339 = arith.constant 5.000000e-01 : f32
        %broadcast_in_dim3A_340 = vector.broadcast %broadcast_in_dim3A_339 : f32 to vector<16xf32>
        %gt3A_341 = arith.cmpf ogt, %div3A_338, %broadcast_in_dim3A_340 : vector<16xf32>
        %select_n3A_342 = arith.select %gt3A_341, %broadcast_in_dim3A, %get3A_313 : vector<16xi1>, vector<16xf32>
        %swap3A_343 = arith.index_cast %mul3A_311 : i32 to index
        %swap3A_344 = tpu.vector_load %arg14[%swap3A_343] {strides = array<i32>} : memref<1280xf32, #tpu.memory_space<vmem>>, vector<16xf32>,
        tpu.vector_store %arg14[%swap3A_343], %select_n3A_342 {strides = array<i32>} : memref<1280xf32, #tpu.memory_space<vmem>>, vector<16xf32>,
        %mul3A_345 = arith.constant 16 : i32
        %mul3A_346 = arith.muli %add3A_309, %mul3A_345 : i32
        %add3A_347 = arith.addi %mul3A_3, %mul3A_346 : i32
        %broadcast_in_dim3A_348 = vector.broadcast %add3A_347 : i32 to vector<16xi32>
        %add3A_349 = arith.addi %broadcast_in_dim3A_348, %iota3A : vector<16xi32>
        %gt3A_350 = arith.cmpf ogt, %select_n3A_342, %select_n3A_304 : vector<16xf32>
        %select_n3A_351 = arith.select %gt3A_350, %select_n3A_342, %select_n3A_304 : vector<16xi1>, vector<16xf32>
        %select_n3A_352 = arith.select %gt3A_350, %add3A_349, %select_n3A_305 : vector<16xi1>, vector<16xi32>
        %mul3A_353 = arith.constant 4 : i32
        %mul3A_354 = arith.muli %scan3A_258, %mul3A_353 : i32
        %add3A_355 = arith.constant 2 : i32
        %add3A_356 = arith.addi %mul3A_354, %add3A_355 : i32
        %mul3A_357 = arith.constant 16 : i32
        %mul3A_358 = arith.muli %add3A_356, %mul3A_357 : i32
        %get3A_359 = arith.index_cast %mul3A_358 : i32 to index
        %get3A_360 = tpu.vector_load %arg14[%get3A_359] {strides = array<i32>} : memref<1280xf32, #tpu.memory_space<vmem>>, vector<16xf32>,
        %get3A_361 = arith.index_cast %mul3A_358 : i32 to index
        %get3A_362 = tpu.vector_load %arg11[%get3A_361] {strides = array<i32>} : memref<1280xf32, #tpu.memory_space<vmem>>, vector<16xf32>,
        %min3A_363 = arith.minimumf %scan3A_132, %get3A_362 : vector<16xf32>
        %get3A_364 = arith.index_cast %mul3A_358 : i32 to index
        %get3A_365 = tpu.vector_load %arg9[%get3A_364] {strides = array<i32>} : memref<1280xf32, #tpu.memory_space<vmem>>, vector<16xf32>,
        %max3A_366 = arith.maximumf %scan3A_130, %get3A_365 : vector<16xf32>
        %sub3A_367 = arith.subf %min3A_363, %max3A_366 : vector<16xf32>
        %max3A_368 = arith.maximumf %sub3A_367, %broadcast_in_dim3A_2 : vector<16xf32>
        %get3A_369 = arith.index_cast %mul3A_358 : i32 to index
        %get3A_370 = tpu.vector_load %arg12[%get3A_369] {strides = array<i32>} : memref<1280xf32, #tpu.memory_space<vmem>>, vector<16xf32>,
        %min3A_371 = arith.minimumf %scan3A_133, %get3A_370 : vector<16xf32>
        %get3A_372 = arith.index_cast %mul3A_358 : i32 to index
        %get3A_373 = tpu.vector_load %arg10[%get3A_372] {strides = array<i32>} : memref<1280xf32, #tpu.memory_space<vmem>>, vector<16xf32>,
        %max3A_374 = arith.maximumf %scan3A_131, %get3A_373 : vector<16xf32>
        %sub3A_375 = arith.subf %min3A_371, %max3A_374 : vector<16xf32>
        %max3A_376 = arith.maximumf %sub3A_375, %broadcast_in_dim3A_2 : vector<16xf32>
        %mul3A_377 = arith.mulf %max3A_368, %max3A_376 : vector<16xf32>
        %get3A_378 = arith.index_cast %mul3A_358 : i32 to index
        %get3A_379 = tpu.vector_load %arg13[%get3A_378] {strides = array<i32>} : memref<1280xf32, #tpu.memory_space<vmem>>, vector<16xf32>,
        %add3A_380 = arith.addf %mul3A_140, %get3A_379 : vector<16xf32>
        %sub3A_381 = arith.subf %add3A_380, %mul3A_377 : vector<16xf32>
        %broadcast_in_dim3A_382 = arith.constant 9.99999971E-10 : f32
        %broadcast_in_dim3A_383 = vector.broadcast %broadcast_in_dim3A_382 : f32 to vector<16xf32>
        %add3A_384 = arith.addf %sub3A_381, %broadcast_in_dim3A_383 : vector<16xf32>
        %div3A_385 = arith.divf %mul3A_377, %add3A_384 : vector<16xf32>
        %broadcast_in_dim3A_386 = arith.constant 5.000000e-01 : f32
        %broadcast_in_dim3A_387 = vector.broadcast %broadcast_in_dim3A_386 : f32 to vector<16xf32>
        %gt3A_388 = arith.cmpf ogt, %div3A_385, %broadcast_in_dim3A_387 : vector<16xf32>
        %select_n3A_389 = arith.select %gt3A_388, %broadcast_in_dim3A, %get3A_360 : vector<16xi1>, vector<16xf32>
        %swap3A_390 = arith.index_cast %mul3A_358 : i32 to index
        %swap3A_391 = tpu.vector_load %arg14[%swap3A_390] {strides = array<i32>} : memref<1280xf32, #tpu.memory_space<vmem>>, vector<16xf32>,
        tpu.vector_store %arg14[%swap3A_390], %select_n3A_389 {strides = array<i32>} : memref<1280xf32, #tpu.memory_space<vmem>>, vector<16xf32>,
        %mul3A_392 = arith.constant 16 : i32
        %mul3A_393 = arith.muli %add3A_356, %mul3A_392 : i32
        %add3A_394 = arith.addi %mul3A_3, %mul3A_393 : i32
        %broadcast_in_dim3A_395 = vector.broadcast %add3A_394 : i32 to vector<16xi32>
        %add3A_396 = arith.addi %broadcast_in_dim3A_395, %iota3A : vector<16xi32>
        %gt3A_397 = arith.cmpf ogt, %select_n3A_389, %select_n3A_351 : vector<16xf32>
        %select_n3A_398 = arith.select %gt3A_397, %select_n3A_389, %select_n3A_351 : vector<16xi1>, vector<16xf32>
        %select_n3A_399 = arith.select %gt3A_397, %add3A_396, %select_n3A_352 : vector<16xi1>, vector<16xi32>
        %mul3A_400 = arith.constant 4 : i32
        %mul3A_401 = arith.muli %scan3A_258, %mul3A_400 : i32
        %add3A_402 = arith.constant 3 : i32
        %add3A_403 = arith.addi %mul3A_401, %add3A_402 : i32
        %mul3A_404 = arith.constant 16 : i32
        %mul3A_405 = arith.muli %add3A_403, %mul3A_404 : i32
        %get3A_406 = arith.index_cast %mul3A_405 : i32 to index
        %get3A_407 = tpu.vector_load %arg14[%get3A_406] {strides = array<i32>} : memref<1280xf32, #tpu.memory_space<vmem>>, vector<16xf32>,
        %get3A_408 = arith.index_cast %mul3A_405 : i32 to index
        %get3A_409 = tpu.vector_load %arg11[%get3A_408] {strides = array<i32>} : memref<1280xf32, #tpu.memory_space<vmem>>, vector<16xf32>,
        %min3A_410 = arith.minimumf %scan3A_132, %get3A_409 : vector<16xf32>
        %get3A_411 = arith.index_cast %mul3A_405 : i32 to index
        %get3A_412 = tpu.vector_load %arg9[%get3A_411] {strides = array<i32>} : memref<1280xf32, #tpu.memory_space<vmem>>, vector<16xf32>,
        %max3A_413 = arith.maximumf %scan3A_130, %get3A_412 : vector<16xf32>
        %sub3A_414 = arith.subf %min3A_410, %max3A_413 : vector<16xf32>
        %max3A_415 = arith.maximumf %sub3A_414, %broadcast_in_dim3A_2 : vector<16xf32>
        %get3A_416 = arith.index_cast %mul3A_405 : i32 to index
        %get3A_417 = tpu.vector_load %arg12[%get3A_416] {strides = array<i32>} : memref<1280xf32, #tpu.memory_space<vmem>>, vector<16xf32>,
        %min3A_418 = arith.minimumf %scan3A_133, %get3A_417 : vector<16xf32>
        %get3A_419 = arith.index_cast %mul3A_405 : i32 to index
        %get3A_420 = tpu.vector_load %arg10[%get3A_419] {strides = array<i32>} : memref<1280xf32, #tpu.memory_space<vmem>>, vector<16xf32>,
        %max3A_421 = arith.maximumf %scan3A_131, %get3A_420 : vector<16xf32>
        %sub3A_422 = arith.subf %min3A_418, %max3A_421 : vector<16xf32>
        %max3A_423 = arith.maximumf %sub3A_422, %broadcast_in_dim3A_2 : vector<16xf32>
        %mul3A_424 = arith.mulf %max3A_415, %max3A_423 : vector<16xf32>
        %get3A_425 = arith.index_cast %mul3A_405 : i32 to index
        %get3A_426 = tpu.vector_load %arg13[%get3A_425] {strides = array<i32>} : memref<1280xf32, #tpu.memory_space<vmem>>, vector<16xf32>,
        %add3A_427 = arith.addf %mul3A_140, %get3A_426 : vector<16xf32>
        %sub3A_428 = arith.subf %add3A_427, %mul3A_424 : vector<16xf32>
        %broadcast_in_dim3A_429 = arith.constant 9.99999971E-10 : f32
        %broadcast_in_dim3A_430 = vector.broadcast %broadcast_in_dim3A_429 : f32 to vector<16xf32>
        %add3A_431 = arith.addf %sub3A_428, %broadcast_in_dim3A_430 : vector<16xf32>
        %div3A_432 = arith.divf %mul3A_424, %add3A_431 : vector<16xf32>
        %broadcast_in_dim3A_433 = arith.constant 5.000000e-01 : f32
        %broadcast_in_dim3A_434 = vector.broadcast %broadcast_in_dim3A_433 : f32 to vector<16xf32>
        %gt3A_435 = arith.cmpf ogt, %div3A_432, %broadcast_in_dim3A_434 : vector<16xf32>
        %select_n3A_436 = arith.select %gt3A_435, %broadcast_in_dim3A, %get3A_407 : vector<16xi1>, vector<16xf32>
        %swap3A_437 = arith.index_cast %mul3A_405 : i32 to index
        %swap3A_438 = tpu.vector_load %arg14[%swap3A_437] {strides = array<i32>} : memref<1280xf32, #tpu.memory_space<vmem>>, vector<16xf32>,
        tpu.vector_store %arg14[%swap3A_437], %select_n3A_436 {strides = array<i32>} : memref<1280xf32, #tpu.memory_space<vmem>>, vector<16xf32>,
        %mul3A_439 = arith.constant 16 : i32
        %mul3A_440 = arith.muli %add3A_403, %mul3A_439 : i32
        %add3A_441 = arith.addi %mul3A_3, %mul3A_440 : i32
        %broadcast_in_dim3A_442 = vector.broadcast %add3A_441 : i32 to vector<16xi32>
        %add3A_443 = arith.addi %broadcast_in_dim3A_442, %iota3A : vector<16xi32>
        %gt3A_444 = arith.cmpf ogt, %select_n3A_436, %select_n3A_398 : vector<16xf32>
        %select_n3A_445 = arith.select %gt3A_444, %select_n3A_436, %select_n3A_398 : vector<16xi1>, vector<16xf32>
        %select_n3A_446 = arith.select %gt3A_444, %add3A_443, %select_n3A_399 : vector<16xi1>, vector<16xi32>
        scf.yield %select_n3A_445, %select_n3A_446 : vector<16xf32>, vector<16xi32>
      }
      %scan3A_146 = arith.constant 20 : i32
      %add3A_147 = arith.constant 1 : i32
      %add3A_148 = arith.addi %scan3A_126, %add3A_147 : i32
      %jit3A_149 = arith.constant 2 : i32
      %eq3A_150 = arith.constant 0 : i32
      %eq3A_151 = arith.cmpi eq, %jit3A_149, %eq3A_150 : i32
      %jit3A_152 = arith.constant 1 : i32
      %select_n3A_153 = arith.select %eq3A_151, %jit3A_152, %jit3A_149 : i32
      %rem3A = arith.remsi %add3A_148, %select_n3A_153 : i32
      %ne3A = arith.constant 0 : i32
      %ne3A_154 = arith.cmpi ne, %rem3A, %ne3A : i32
      %lt3A = arith.constant 0 : i32
      %lt3A_155 = arith.cmpi slt, %rem3A, %lt3A : i32
      %lt3A_156 = arith.constant 0 : i32
      %lt3A_157 = arith.cmpi slt, %select_n3A_153, %lt3A_156 : i32
      %ne3A_158 = arith.xori %lt3A_155, %lt3A_157 : i1
      %and3A = arith.andi %ne3A_158, %ne3A_154 : i1
      %add3A_159 = arith.addi %rem3A, %select_n3A_153 : i32
      %select_n3A_160 = arith.select %and3A, %add3A_159, %rem3A : i32
      %reduce_max3A_161 = arith.constant true
      %reduce_max3A_162 = vector.broadcast %reduce_max3A_161 : i1 to vector<16xi1>
      %reduce_max3A_163 = tpu.scan <max>, %scan3A_145#0 masked %reduce_max3A_162 : vector<16xf32>, vector<16xi1> -> vector<16xf32>
      %reduce_max3A_164 = vector.extract %reduce_max3A_163[15] : f32 from vector<16xf32>
      %broadcast_in_dim3A_165 = vector.broadcast %reduce_max3A_164 : f32 to vector<16xf32>
      %eq3A_166 = arith.cmpf oeq, %scan3A_145#0, %broadcast_in_dim3A_165 : vector<16xf32>
      %broadcast_in_dim3A_167 = arith.constant 20480 : i32
      %broadcast_in_dim3A_168 = vector.broadcast %broadcast_in_dim3A_167 : i32 to vector<16xi32>
      %select_n3A_169 = arith.select %eq3A_166, %scan3A_145#1, %broadcast_in_dim3A_168 : vector<16xi1>, vector<16xi32>
      %reduce_min3A_170 = arith.constant true
      %reduce_min3A_171 = vector.broadcast %reduce_min3A_170 : i1 to vector<16xi1>
      %reduce_min3A_172 = arith.constant -2147483648 : i32
      %reduce_min3A_173 = vector.broadcast %reduce_min3A_172 : i32 to vector<16xi32>
      %reduce_min3A_174 = arith.xori %select_n3A_169, %reduce_min3A_173 : vector<16xi32>
      %reduce_min3A_175 = tpu.scan <min>, %reduce_min3A_174 masked %reduce_min3A_171 : vector<16xi32>, vector<16xi1> -> vector<16xi32>
      %reduce_min3A_176 = arith.xori %reduce_min3A_175, %reduce_min3A_173 : vector<16xi32>
      %reduce_min3A_177 = vector.extract %reduce_min3A_176[15] : i32 from vector<16xi32>
      %sub3A_178 = arith.subi %reduce_min3A_177, %mul3A_3 : i32
      %jit3A_179 = arith.constant 0 : i32
      %jit3A_180 = arith.constant 1279 : i32
      %max3A_181 = arith.maxsi %jit3A_179, %sub3A_178 : i32
      %min3A_182 = arith.minsi %jit3A_180, %max3A_181 : i32
      %broadcast_in_dim3A_183 = vector.broadcast %min3A_182 : i32 to vector<16xi32>
      %gather3A_184 = tpu.vector_load_idx %arg9[%broadcast_in_dim3A_183] : memref<1280xf32, #tpu.memory_space<vmem>>[vector<16xi32>], vector<16xf32>,
      %gather3A_185 = tpu.vector_load_idx %arg10[%broadcast_in_dim3A_183] : memref<1280xf32, #tpu.memory_space<vmem>>[vector<16xi32>], vector<16xf32>,
      %gather3A_186 = tpu.vector_load_idx %arg11[%broadcast_in_dim3A_183] : memref<1280xf32, #tpu.memory_space<vmem>>[vector<16xi32>], vector<16xf32>,
      %gather3A_187 = tpu.vector_load_idx %arg12[%broadcast_in_dim3A_183] : memref<1280xf32, #tpu.memory_space<vmem>>[vector<16xi32>], vector<16xf32>,
      %eq3A_188 = arith.constant 0 : i32
      %eq3A_189 = vector.broadcast %eq3A_188 : i32 to vector<16xi32>
      %eq3A_190 = arith.cmpi eq, %iota3A, %eq3A_189 : vector<16xi32>
      %eq3A_191 = arith.constant 1 : i32
      %eq3A_192 = vector.broadcast %eq3A_191 : i32 to vector<16xi32>
      %eq3A_193 = arith.cmpi eq, %iota3A, %eq3A_192 : vector<16xi32>
      %eq3A_194 = arith.constant 2 : i32
      %eq3A_195 = vector.broadcast %eq3A_194 : i32 to vector<16xi32>
      %eq3A_196 = arith.cmpi eq, %iota3A, %eq3A_195 : vector<16xi32>
      %eq3A_197 = arith.constant 3 : i32
      %eq3A_198 = vector.broadcast %eq3A_197 : i32 to vector<16xi32>
      %eq3A_199 = arith.cmpi eq, %iota3A, %eq3A_198 : vector<16xi32>
      %eq3A_200 = arith.constant 4 : i32
      %eq3A_201 = vector.broadcast %eq3A_200 : i32 to vector<16xi32>
      %eq3A_202 = arith.cmpi eq, %iota3A, %eq3A_201 : vector<16xi32>
      %select_n3A_203 = arith.select %eq3A_202, %gather3A_187, %broadcast_in_dim3A_2 : vector<16xi1>, vector<16xf32>
      %select_n3A_204 = arith.select %eq3A_199, %gather3A_186, %select_n3A_203 : vector<16xi1>, vector<16xf32>
      %select_n3A_205 = arith.select %eq3A_196, %gather3A_185, %select_n3A_204 : vector<16xi1>, vector<16xf32>
      %select_n3A_206 = arith.select %eq3A_193, %gather3A_184, %select_n3A_205 : vector<16xi1>, vector<16xf32>
      %select_n3A_207 = arith.select %eq3A_190, %broadcast_in_dim3A_165, %select_n3A_206 : vector<16xi1>, vector<16xf32>
      %swap3A_208 = arith.constant 0 : index
      %swap3A_209 = tpu.vector_load %arg15[%swap3A_208] {strides = array<i32>} : memref<16xf32, #tpu.memory_space<vmem>>, vector<16xf32>,
      tpu.vector_store %arg15[%swap3A_208], %select_n3A_207 {strides = array<i32>} : memref<16xf32, #tpu.memory_space<vmem>>, vector<16xf32>,
      %mul3A_210 = arith.constant 16 : i32
      %mul3A_211 = arith.muli %arg1, %mul3A_210 : i32
      "tpu.region"() ({
        %run_scoped3A_258 = tpu.sem_alloc : memref<!tpu.dma_semaphore, #tpu.memory_space<semaphore_mem>>
        %dma_start3A_259 = tpu.memref_slice %arg18[%select_n3A_160, %mul3A_211] : memref<2x256xf32, #tpu.memory_space<vmem_shared>> -> memref<1x16xf32, #tpu.memory_space<vmem_shared>>
        %dma_start3A_260 = tpu.memref_squeeze %dma_start3A_259 : memref<1x16xf32, #tpu.memory_space<vmem_shared>> -> memref<16xf32, #tpu.memory_space<vmem_shared>>
        %dma_start3A_261 = tpu.memref_slice %arg18[%select_n3A_160, %mul3A_211] : memref<2x256xf32, #tpu.memory_space<vmem_shared>> -> memref<1x16xf32, #tpu.memory_space<vmem_shared>>
        %dma_start3A_262 = tpu.memref_squeeze %dma_start3A_261 : memref<1x16xf32, #tpu.memory_space<vmem_shared>> -> memref<16xf32, #tpu.memory_space<vmem_shared>>
        tpu.enqueue_dma source(%arg15 : memref<16xf32, #tpu.memory_space<vmem>>) target(%dma_start3A_262 : memref<16xf32, #tpu.memory_space<vmem_shared>>) target_semaphore(%run_scoped3A_258 : memref<!tpu.dma_semaphore, #tpu.memory_space<semaphore_mem>>)
        %dma_wait3A_263 = tpu.memref_slice %arg18[%select_n3A_160, %mul3A_211] : memref<2x256xf32, #tpu.memory_space<vmem_shared>> -> memref<1x16xf32, #tpu.memory_space<vmem_shared>>
        %dma_wait3A_264 = tpu.memref_squeeze %dma_wait3A_263 : memref<1x16xf32, #tpu.memory_space<vmem_shared>> -> memref<16xf32, #tpu.memory_space<vmem_shared>>
        %dma_wait3A_265 = tpu.memref_slice %arg18[%select_n3A_160, %mul3A_211] : memref<2x256xf32, #tpu.memory_space<vmem_shared>> -> memref<1x16xf32, #tpu.memory_space<vmem_shared>>
        %dma_wait3A_266 = tpu.memref_squeeze %dma_wait3A_265 : memref<1x16xf32, #tpu.memory_space<vmem_shared>> -> memref<16xf32, #tpu.memory_space<vmem_shared>>
        tpu.wait_dma2 semaphore(%run_scoped3A_258 : memref<!tpu.dma_semaphore, #tpu.memory_space<semaphore_mem>>) src(%arg15 : memref<16xf32, #tpu.memory_space<vmem>>) dst(%dma_wait3A_266 : memref<16xf32, #tpu.memory_space<vmem_shared>>)
        tpu.yield
      }) : () -> ()
      %eq3A_212 = arith.constant 0 : i32
      %eq3A_213 = arith.cmpi eq, %arg1, %eq3A_212 : i32
      %convert_element_type3A_214 = arith.extui %eq3A_213 : i1 to i32
      %cond3A_215 = arith.constant 0 : i32
      %cond3A_216 = arith.cmpi ne, %convert_element_type3A_214, %cond3A_215 : i32
      scf.if %cond3A_216 {
        %eq3A_258 = arith.constant 0 : i32
        %eq3A_259 = vector.broadcast %eq3A_258 : i32 to vector<16xi32>
        %eq3A_260 = arith.cmpi eq, %iota3A, %eq3A_259 : vector<16xi32>
        %eq3A_261 = arith.constant 1 : i32
        %eq3A_262 = vector.broadcast %eq3A_261 : i32 to vector<16xi32>
        %eq3A_263 = arith.cmpi eq, %iota3A, %eq3A_262 : vector<16xi32>
        %eq3A_264 = arith.constant 2 : i32
        %eq3A_265 = vector.broadcast %eq3A_264 : i32 to vector<16xi32>
        %eq3A_266 = arith.cmpi eq, %iota3A, %eq3A_265 : vector<16xi32>
        %eq3A_267 = arith.constant 3 : i32
        %eq3A_268 = vector.broadcast %eq3A_267 : i32 to vector<16xi32>
        %eq3A_269 = arith.cmpi eq, %iota3A, %eq3A_268 : vector<16xi32>
        %eq3A_270 = arith.constant 4 : i32
        %eq3A_271 = vector.broadcast %eq3A_270 : i32 to vector<16xi32>
        %eq3A_272 = arith.cmpi eq, %iota3A, %eq3A_271 : vector<16xi32>
        %select_n3A_273 = arith.select %eq3A_272, %scan3A_129, %broadcast_in_dim3A_2 : vector<16xi1>, vector<16xf32>
        %select_n3A_274 = arith.select %eq3A_269, %scan3A_133, %select_n3A_273 : vector<16xi1>, vector<16xf32>
        %select_n3A_275 = arith.select %eq3A_266, %scan3A_132, %select_n3A_274 : vector<16xi1>, vector<16xf32>
        %select_n3A_276 = arith.select %eq3A_263, %scan3A_131, %select_n3A_275 : vector<16xi1>, vector<16xf32>
        %select_n3A_277 = arith.select %eq3A_260, %scan3A_130, %select_n3A_276 : vector<16xi1>, vector<16xf32>
        %mul3A_278 = arith.constant 5.000000e-01 : f32
        %mul3A_279 = arith.mulf %squeeze3A, %mul3A_278 : f32
        %broadcast_in_dim3A_280 = vector.broadcast %mul3A_279 : f32 to vector<16xf32>
        %gt3A = arith.cmpf ogt, %scan3A_129, %broadcast_in_dim3A_280 : vector<16xf32>
        %select_n3A_281 = arith.select %gt3A, %select_n3A_277, %broadcast_in_dim3A_2 : vector<16xi1>, vector<16xf32>
        %swap3A_282 = arith.index_cast %scan3A_126 : i32 to index
        %swap3A_283 = arith.constant 0 : index
        %swap3A_284 = tpu.vector_load %arg17[%swap3A_282, %swap3A_283] {strides = array<i32>} : memref<104x16xf32, #tpu.memory_space<vmem>>, vector<16xf32>,
        tpu.vector_store %arg17[%swap3A_282, %swap3A_283], %select_n3A_281 {strides = array<i32>} : memref<104x16xf32, #tpu.memory_space<vmem>>, vector<16xf32>,
      } else {
      }
      %barrier3A_217 = arith.constant 0 : index
      tpu.barrier barrier_id(%barrier3A_217)
      "tpu.region"() ({
        %run_scoped3A_258 = tpu.sem_alloc : memref<!tpu.dma_semaphore, #tpu.memory_space<semaphore_mem>>
        %dma_start3A_259 = arith.constant 0 : i32
        %dma_start3A_260 = tpu.memref_slice %arg18[%select_n3A_160, %dma_start3A_259] : memref<2x256xf32, #tpu.memory_space<vmem_shared>> -> memref<1x256xf32, #tpu.memory_space<vmem_shared>>
        %dma_start3A_261 = tpu.memref_squeeze %dma_start3A_260 : memref<1x256xf32, #tpu.memory_space<vmem_shared>> -> memref<256xf32, #tpu.memory_space<vmem_shared>>
        %dma_start3A_262 = arith.constant 0 : i32
        %dma_start3A_263 = tpu.memref_slice %arg18[%select_n3A_160, %dma_start3A_262] : memref<2x256xf32, #tpu.memory_space<vmem_shared>> -> memref<1x256xf32, #tpu.memory_space<vmem_shared>>
        %dma_start3A_264 = tpu.memref_squeeze %dma_start3A_263 : memref<1x256xf32, #tpu.memory_space<vmem_shared>> -> memref<256xf32, #tpu.memory_space<vmem_shared>>
        tpu.enqueue_dma source(%dma_start3A_264 : memref<256xf32, #tpu.memory_space<vmem_shared>>) target(%arg16 : memref<256xf32, #tpu.memory_space<vmem>>) target_semaphore(%run_scoped3A_258 : memref<!tpu.dma_semaphore, #tpu.memory_space<semaphore_mem>>)
        %dma_wait3A_265 = arith.constant 0 : i32
        %dma_wait3A_266 = tpu.memref_slice %arg18[%select_n3A_160, %dma_wait3A_265] : memref<2x256xf32, #tpu.memory_space<vmem_shared>> -> memref<1x256xf32, #tpu.memory_space<vmem_shared>>
        %dma_wait3A_267 = tpu.memref_squeeze %dma_wait3A_266 : memref<1x256xf32, #tpu.memory_space<vmem_shared>> -> memref<256xf32, #tpu.memory_space<vmem_shared>>
        %dma_wait3A_268 = arith.constant 0 : i32
        %dma_wait3A_269 = tpu.memref_slice %arg18[%select_n3A_160, %dma_wait3A_268] : memref<2x256xf32, #tpu.memory_space<vmem_shared>> -> memref<1x256xf32, #tpu.memory_space<vmem_shared>>
        %dma_wait3A_270 = tpu.memref_squeeze %dma_wait3A_269 : memref<1x256xf32, #tpu.memory_space<vmem_shared>> -> memref<256xf32, #tpu.memory_space<vmem_shared>>
        tpu.wait_dma2 semaphore(%run_scoped3A_258 : memref<!tpu.dma_semaphore, #tpu.memory_space<semaphore_mem>>) src(%dma_wait3A_270 : memref<256xf32, #tpu.memory_space<vmem_shared>>) dst(%arg16 : memref<256xf32, #tpu.memory_space<vmem>>)
        tpu.yield
      }) : () -> ()
      %mul3A_218 = arith.constant 16 : i32
      %mul3A_219 = vector.broadcast %mul3A_218 : i32 to vector<16xi32>
      %mul3A_220 = arith.muli %iota3A, %mul3A_219 : vector<16xi32>
      %gather3A_221 = tpu.vector_load_idx %arg16[%mul3A_220] : memref<256xf32, #tpu.memory_space<vmem>>[vector<16xi32>], vector<16xf32>,
      %reduce_max3A_222 = arith.constant true
      %reduce_max3A_223 = vector.broadcast %reduce_max3A_222 : i1 to vector<16xi1>
      %reduce_max3A_224 = tpu.scan <max>, %gather3A_221 masked %reduce_max3A_223 : vector<16xf32>, vector<16xi1> -> vector<16xf32>
      %reduce_max3A_225 = vector.extract %reduce_max3A_224[15] : f32 from vector<16xf32>
      %broadcast_in_dim3A_226 = vector.broadcast %reduce_max3A_225 : f32 to vector<16xf32>
      %eq3A_227 = arith.cmpf oeq, %gather3A_221, %broadcast_in_dim3A_226 : vector<16xf32>
      %broadcast_in_dim3A_228 = arith.constant 99 : i32
      %broadcast_in_dim3A_229 = vector.broadcast %broadcast_in_dim3A_228 : i32 to vector<16xi32>
      %select_n3A_230 = arith.select %eq3A_227, %iota3A, %broadcast_in_dim3A_229 : vector<16xi1>, vector<16xi32>
      %reduce_min3A_231 = arith.constant true
      %reduce_min3A_232 = vector.broadcast %reduce_min3A_231 : i1 to vector<16xi1>
      %reduce_min3A_233 = arith.constant -2147483648 : i32
      %reduce_min3A_234 = vector.broadcast %reduce_min3A_233 : i32 to vector<16xi32>
      %reduce_min3A_235 = arith.xori %select_n3A_230, %reduce_min3A_234 : vector<16xi32>
      %reduce_min3A_236 = tpu.scan <min>, %reduce_min3A_235 masked %reduce_min3A_232 : vector<16xi32>, vector<16xi1> -> vector<16xi32>
      %reduce_min3A_237 = arith.xori %reduce_min3A_236, %reduce_min3A_234 : vector<16xi32>
      %reduce_min3A_238 = vector.extract %reduce_min3A_237[15] : i32 from vector<16xi32>
      %mul3A_239 = arith.constant 16 : i32
      %mul3A_240 = arith.muli %reduce_min3A_238, %mul3A_239 : i32
      %broadcast_in_dim3A_241 = vector.broadcast %mul3A_240 : i32 to vector<16xi32>
      %add3A_242 = arith.constant 1 : i32
      %add3A_243 = vector.broadcast %add3A_242 : i32 to vector<16xi32>
      %add3A_244 = arith.addi %broadcast_in_dim3A_241, %add3A_243 : vector<16xi32>
      %gather3A_245 = tpu.vector_load_idx %arg16[%add3A_244] : memref<256xf32, #tpu.memory_space<vmem>>[vector<16xi32>], vector<16xf32>,
      %add3A_246 = arith.constant 2 : i32
      %add3A_247 = vector.broadcast %add3A_246 : i32 to vector<16xi32>
      %add3A_248 = arith.addi %broadcast_in_dim3A_241, %add3A_247 : vector<16xi32>
      %gather3A_249 = tpu.vector_load_idx %arg16[%add3A_248] : memref<256xf32, #tpu.memory_space<vmem>>[vector<16xi32>], vector<16xf32>,
      %add3A_250 = arith.constant 3 : i32
      %add3A_251 = vector.broadcast %add3A_250 : i32 to vector<16xi32>
      %add3A_252 = arith.addi %broadcast_in_dim3A_241, %add3A_251 : vector<16xi32>
      %gather3A_253 = tpu.vector_load_idx %arg16[%add3A_252] : memref<256xf32, #tpu.memory_space<vmem>>[vector<16xi32>], vector<16xf32>,
      %add3A_254 = arith.constant 4 : i32
      %add3A_255 = vector.broadcast %add3A_254 : i32 to vector<16xi32>
      %add3A_256 = arith.addi %broadcast_in_dim3A_241, %add3A_255 : vector<16xi32>
      %gather3A_257 = tpu.vector_load_idx %arg16[%add3A_256] : memref<256xf32, #tpu.memory_space<vmem>>[vector<16xi32>], vector<16xf32>,
      scf.yield %reduce_min3A_238, %min3A_182, %broadcast_in_dim3A_226, %gather3A_245, %gather3A_249, %gather3A_253, %gather3A_257 : i32, i32, vector<16xf32>, vector<16xf32>, vector<16xf32>, vector<16xf32>, vector<16xf32>
    }
    %scan3A_117 = arith.constant 99 : i32
    %eq3A_118 = arith.constant 0 : i32
    %eq3A_119 = arith.cmpi eq, %arg1, %eq3A_118 : i32
    %convert_element_type3A = arith.extui %eq3A_119 : i1 to i32
    %cond3A = arith.constant 0 : i32
    %cond3A_120 = arith.cmpi ne, %convert_element_type3A, %cond3A : i32
    scf.if %cond3A_120 {
      %eq3A_126 = arith.constant 0 : i32
      %eq3A_127 = vector.broadcast %eq3A_126 : i32 to vector<16xi32>
      %eq3A_128 = arith.cmpi eq, %iota3A, %eq3A_127 : vector<16xi32>
      %eq3A_129 = arith.constant 1 : i32
      %eq3A_130 = vector.broadcast %eq3A_129 : i32 to vector<16xi32>
      %eq3A_131 = arith.cmpi eq, %iota3A, %eq3A_130 : vector<16xi32>
      %eq3A_132 = arith.constant 2 : i32
      %eq3A_133 = vector.broadcast %eq3A_132 : i32 to vector<16xi32>
      %eq3A_134 = arith.cmpi eq, %iota3A, %eq3A_133 : vector<16xi32>
      %eq3A_135 = arith.constant 3 : i32
      %eq3A_136 = vector.broadcast %eq3A_135 : i32 to vector<16xi32>
      %eq3A_137 = arith.cmpi eq, %iota3A, %eq3A_136 : vector<16xi32>
      %eq3A_138 = arith.constant 4 : i32
      %eq3A_139 = vector.broadcast %eq3A_138 : i32 to vector<16xi32>
      %eq3A_140 = arith.cmpi eq, %iota3A, %eq3A_139 : vector<16xi32>
      %select_n3A_141 = arith.select %eq3A_140, %scan3A_116#2, %broadcast_in_dim3A_2 : vector<16xi1>, vector<16xf32>
      %select_n3A_142 = arith.select %eq3A_137, %scan3A_116#6, %select_n3A_141 : vector<16xi1>, vector<16xf32>
      %select_n3A_143 = arith.select %eq3A_134, %scan3A_116#5, %select_n3A_142 : vector<16xi1>, vector<16xf32>
      %select_n3A_144 = arith.select %eq3A_131, %scan3A_116#4, %select_n3A_143 : vector<16xi1>, vector<16xf32>
      %select_n3A_145 = arith.select %eq3A_128, %scan3A_116#3, %select_n3A_144 : vector<16xi1>, vector<16xf32>
      %mul3A_146 = arith.constant 5.000000e-01 : f32
      %mul3A_147 = arith.mulf %squeeze3A, %mul3A_146 : f32
      %broadcast_in_dim3A_148 = vector.broadcast %mul3A_147 : f32 to vector<16xf32>
      %gt3A = arith.cmpf ogt, %scan3A_116#2, %broadcast_in_dim3A_148 : vector<16xf32>
      %select_n3A_149 = arith.select %gt3A, %select_n3A_145, %broadcast_in_dim3A_2 : vector<16xi1>, vector<16xf32>
      %swap3A_150 = arith.constant 99 : i32
      %swap3A_151 = arith.index_cast %swap3A_150 : i32 to index
      %swap3A_152 = arith.constant 0 : index
      %swap3A_153 = tpu.vector_load %arg17[%swap3A_151, %swap3A_152] {strides = array<i32>} : memref<104x16xf32, #tpu.memory_space<vmem>>, vector<16xf32>,
      tpu.vector_store %arg17[%swap3A_151, %swap3A_152], %select_n3A_149 {strides = array<i32>} : memref<104x16xf32, #tpu.memory_space<vmem>>, vector<16xf32>,
    } else {
    }
    %eq3A_121 = arith.constant 0 : i32
    %eq3A_122 = arith.cmpi eq, %arg1, %eq3A_121 : i32
    %convert_element_type3A_123 = arith.extui %eq3A_122 : i1 to i32
    %cond3A_124 = arith.constant 0 : i32
    %cond3A_125 = arith.cmpi ne, %convert_element_type3A_123, %cond3A_124 : i32
    scf.if %cond3A_125 {
      "tpu.region"() ({
        %run_scoped3A_126 = tpu.sem_alloc : memref<!tpu.dma_semaphore, #tpu.memory_space<semaphore_mem>>
        tpu.enqueue_dma source(%arg17 : memref<104x16xf32, #tpu.memory_space<vmem>>) target(%arg8 : memref<104x16xf32, #tpu.memory_space<hbm>>) target_semaphore(%run_scoped3A_126 : memref<!tpu.dma_semaphore, #tpu.memory_space<semaphore_mem>>)
        tpu.wait_dma2 semaphore(%run_scoped3A_126 : memref<!tpu.dma_semaphore, #tpu.memory_space<semaphore_mem>>) src(%arg17 : memref<104x16xf32, #tpu.memory_space<vmem>>) dst(%arg8 : memref<104x16xf32, #tpu.memory_space<hbm>>)
        tpu.yield
      }) : () -> ()
    } else {
    }
    return
  }
}

</mosaic_0001>

<sc_bundles>
// kernel: kernel.3.cloned.1.call-start
scs
__scs_entry_jumppad:
0x0: {  	(pc) =	sbr.rel $0x88, $3  }
0x1: {  	(tag) =	ssettag $0x0;
	lr =	simm.s32 $0x1  }
0x2: {  	[smem:$0x3F9F] =	sst lr;
	_ =	strace $0xD0000000  }
0x3: {  	_ = 	snop  }
0x4: {  	_ = 	snop  }
0x5: {  	_ = 	snop  }
0x6: {  	_ = 	snop  }
0x7: {  	_ = 	snop  }
__scs_overlays_trampoline_lowered:
0x8: {  	[smem:$0x3FAE] =	sst s0  }
0x9: {  	[smem:$0x3FAF] =	sst s1  }
0xa: {  	[smem:$0x3FB0] =	sst s2  }
0xb: {  	[smem:$0x3FB1] =	sst s3  }
0xc: {  	[smem:$0x3FB2] =	sst s4  }
0xd: {  	[smem:$0x3FB3] =	sst s5  }
0xe: {  	[smem:$0x3FB4] =	sst s6  }
0xf: {  	[smem:$0x3FB5] =	sst s7  }
0x10: {  	[smem:$0x3FB6] =	sst s8  }
0x11: {  	[smem:$0x3FB7] =	sst s9;
	s0 =	simm.s32 @!p0 $0x0  }
0x12: {  	s1 =	sld [smem:$0x3F9D];
	s0 =	simm.s32 @p0 $0x1  }
0x13: {  	[smem:$0x3FB8] =	sst s0;
	s0 =	simm.s32 @!p1 $0x0  }
0x14: {  	s2 =	sld [smem:$0x3F9C];
	s0 =	simm.s32 @p1 $0x1  }
0x15: {  	[smem:$0x3FB9] =	sst s0;
	s0 =	simm.s32 @!p2 $0x0  }
0x16: {  	s3 =	sld [smem:$0x3FDB];
	s0 =	simm.s32 @p2 $0x1  }
0x17: {  	s4 =	simm.s32 $0x1BF5;
	[smem:$0x3FBB] =	sst s0  }
0x18: {  	s0 =	sld [smem:$0x3F9E];
	_ =	swait.ge [sflag:s4], $0x0  }
0x19: {  	s7 =	sld [smem:$0x3F9F]  }
0x1a: {  	s8 =	sadd.s32 $0xFFFFE003, lr  }
0x1b: {  	s9 =	sadd.s32 $0xFFFFFEF7, lr;
	s5 =	simm.s32 $0xFFFFFFFF;
	p2 =	slt.u32 s8, $0xFFFFF086  }
0x1c: {  	p1 =	slt.u32 s9, $0xF7A;
	s5 =	simm.s32 @!p2 $0x0  }
0x1d: {  	s5 =	simm.s32 @p1 $0x1;
	p0 =	seq.s32 s7, s2  }
0x1e: {  	s7 =	smul.u32 @!p0 $0xF7A, s2;
	p2 =	seq.s32 @!p0 s5, $0x0  }
0x1f: {  	s9 =	smul.u32 $0xF7A, s1;
	s8 =	simm.s32 @!p0 $0x1BF5;
	p2 =	por !p2, p0  }
0x20: {  	[sflag:s8] =	ssyncset.s32 @!p0 $0xFFFFF086;
	s6 =	sadd.s32 @!p0 s3, s7;
	s7 =	simm.s32 @!p0 $0x108  }
0x21: {  	s3 =	sadd.s32 s3, s9;
	s6 =	sadd.s32 @!p0 $0x88, s6;
	s7 =	simm.s32 @p2 $0x1082  }
0x22: {  	[simem:s7], [sflag:s8] =	dma.local @!p0 [hbm:s6], $0xF7A  }
0x23: {  	s9 =	sor.u32 $0xD0000000, s2;
	s6 =	simm.s32 $0x108;
	_ =	swait.ge @!p0 [sflag:s8], $0x0  }
0x24: {  	s3 =	sadd.s32 $0x88, s3;
	s6 =	simm.s32 @!p1 $0x1082;
	[sflag:s4] =	ssyncset.s32 $0xFFFFF086  }
0x25: {  	[simem:s6], [sflag:s4] =	dma.local [hbm:s3], $0xF7A  }
0x26: {  	[smem:$0x3F9F] =	sst s1;
	(tag) =	ssettag s2;
	_ =	strace s9  }
0x27: {  	s1 =	sld [smem:$0x3FAF]  }
0x28: {  	s2 =	sld [smem:$0x3FB0]  }
0x29: {  	s4 =	sld [smem:$0x3FB2]  }
0x2a: {  	p0 =	seq.s32 s5, $0x0;
	s5 =	sld [smem:$0x3FB3]  }
0x2b: {  	s6 =	sld [smem:$0x3FB4]  }
0x2c: {  	s7 =	sld [smem:$0x3FB5]  }
0x2d: {  	s3 =	simm.s32 $0x108;
	s8 =	sld [smem:$0x3FB6]  }
0x2e: {  	s3 =	simm.s32 @!p0 $0x1082;
	s9 =	sld [smem:$0x3FB7]  }
0x2f: {  	lr =	sadd.s32 s0, s3;
	s0 =	sld [smem:$0x3FAE]  }
0x30: {  	s3 =	sld [smem:$0x3FB1]  }
0x31: {  	[smem:$0x3FBA] =	sst s10  }
0x32: {  	s10 =	sld [smem:$0x3FB8];
	_ =	sdelay $0x3  }
0x33: {  	p0 =	seq.s32 s10, $0x1;
	s10 =	sld [smem:$0x3FBA];
	_ =	sdelay $0x3  }
0x34: {  	[smem:$0x3FBA] =	sst s10  }
0x35: {  	s10 =	sld [smem:$0x3FB9];
	_ =	sdelay $0x3  }
0x36: {  	p1 =	seq.s32 s10, $0x1;
	s10 =	sld [smem:$0x3FBA];
	_ =	sdelay $0x3  }
0x37: {  	[smem:$0x3FBA] =	sst s10  }
0x38: {  	s10 =	sld [smem:$0x3FBB]  }
0x39: {  	_ = 	snop;
	(pc) =	sbr.ind lr, $3  }
0x3a: {  	_ = 	snop  }
0x3b: {  	_ = 	snop  }
0x3c: {  	p2 =	seq.s32 s10, $0x1;
	s10 =	sld [smem:$0x3FBA]  }
0x3d: {  	_ =	shalt  }
0x3e: {  	_ =	shalt  }
0x3f: {  	_ =	shalt  }
0x40: {  	_ =	shalt  }
0x41: {  	_ =	shalt  }
0x42: {  	_ =	shalt  }
0x43: {  	_ =	shalt  }
0x44: {  	_ =	shalt  }
0x45: {  	_ =	shalt  }
0x46: {  	_ =	shalt  }
0x47: {  	_ =	shalt  }
0x48: {  	_ =	shalt  }
0x49: {  	_ =	shalt  }
0x4a: {  	_ =	shalt  }
0x4b: {  	_ =	shalt  }
0x4c: {  	_ =	shalt  }
0x4d: {  	_ =	shalt  }
0x4e: {  	_ =	shalt  }
0x4f: {  	_ =	shalt  }
0x50: {  	_ =	shalt  }
0x51: {  	_ =	shalt  }
0x52: {  	_ =	shalt  }
0x53: {  	_ =	shalt  }
0x54: {  	_ =	shalt  }
0x55: {  	_ =	shalt  }
0x56: {  	_ =	shalt  }
0x57: {  	_ =	shalt  }
0x58: {  	_ =	shalt  }
0x59: {  	_ =	shalt  }
0x5a: {  	_ =	shalt  }
0x5b: {  	_ =	shalt  }
0x5c: {  	_ =	shalt  }
0x5d: {  	_ =	shalt  }
0x5e: {  	_ =	shalt  }
0x5f: {  	_ =	shalt  }
0x60: {  	_ =	shalt  }
0x61: {  	_ =	shalt  }
0x62: {  	_ =	shalt  }
0x63: {  	_ =	shalt  }
0x64: {  	_ =	shalt  }
0x65: {  	_ =	shalt  }
0x66: {  	_ =	shalt  }
0x67: {  	_ =	shalt  }
0x68: {  	_ =	shalt  }
0x69: {  	_ =	shalt  }
0x6a: {  	_ =	shalt  }
0x6b: {  	_ =	shalt  }
0x6c: {  	_ =	shalt  }
0x6d: {  	_ =	shalt  }
0x6e: {  	_ =	shalt  }
0x6f: {  	_ =	shalt  }
0x70: {  	_ =	shalt  }
0x71: {  	_ =	shalt  }
0x72: {  	_ =	shalt  }
0x73: {  	_ =	shalt  }
0x74: {  	_ =	shalt  }
0x75: {  	_ =	shalt  }
0x76: {  	_ =	shalt  }
0x77: {  	_ =	shalt  }
0x78: {  	_ =	shalt  }
0x79: {  	_ =	shalt  }
0x7a: {  	_ =	shalt  }
0x7b: {  	_ =	shalt  }
0x7c: {  	_ =	shalt  }
0x7d: {  	_ =	shalt  }
0x7e: {  	_ =	shalt  }
0x7f: {  	_ =	shalt  }
0x80: {  	_ =	shalt  }
0x81: {  	_ =	shalt  }
0x82: {  	_ =	shalt  }
0x83: {  	_ =	shalt  }
0x84: {  	_ =	shalt  }
0x85: {  	_ =	shalt  }
0x86: {  	_ =	shalt  }
0x87: {  	_ =	shalt  }
.Lfunc_end0:
.L_simem_size_0:
called_computation_lowered:
.L_overlay_start_0:
0x88: {  	s0 =	sld [smem:$0x3FD9]  }
0x89: {  	s1 =	sld [smem:$0x3FFE];
	_ =	sdelay $0x3  }
0x8a: {  	s0 =	sadd.s32 s1, s0  }
0x8b: {  	[smem:$0x3FC6] =	sst s0  }
0x8c: {  	_ = 	snop  }
0x8d: {  	s0 =	sld [smem:$0x3FD0];
	(tm) =	ssettm $0x1  }
0x8e: {  	s16 =	sld [smem:$0x3FFB];
	_ =	sdelay $0x3  }
0x8f: {  	_ =	strace s16  }
0x90: {  	s1 =	sld [smem:$0x3FFC];
	_ =	sdelay $0x3  }
0x91: {  	_ =	strace s1  }
0x92: {  	s1 =	sld [smem:$0x3FFD];
	_ =	sdelay $0x3  }
0x93: {  	_ =	strace s1  }
0x94: {  	_ =	strace $0x8FFFFFFF  }
0x95: {  	s17 =	sld [smem:$0x3FDB];
	_ =	sdelay $0x1  }
0x96: {  	s2 =	simm.s32 $_scs_section_size  }
0x97: {  	s3 =	simm.s32 $_size__tile_overlayer_lowered;
	s4 =	simm.s32 $_tile_overlayer_lowered  }
0x98: {  	s20 =	simm.s32 $0x1BFF;
	s19 =	sshll.u32 s4, $0x1;
	s1 =	sadd.s32 s2, s17  }
0x99: {  	s5 =	simm.s32 $0x0;
	s18 =	sshll.u32 s3, $0x1;
	s3 =	sadd.s32 s19, s1  }
0x9a: {  	[timem:s5], [sflag:s20] =	dma.local [hbm:s3], s18  }
0x9b: {  	_ =	swait.ge [sflag:s20], s18  }
0x9c: {  	s2 =	ssub.s32 $0x0, s18;
	[sflag:s20] =	ssyncset.done $0x0  }
0x9d: {  	[sflag:s20] =	ssyncadd.s32 s2;
	_ =	sdelay $0x1  }
0x9e: {  	s21 =	simm.s32 $0x1B8B  }
0x9f: {  	_ =	swait.ge [sflag:s21], $0x1  }
0xa0: {  	[sflag:s21] =	ssyncset.done $0x0  }
0xa1: {  	s23 =	simm.s32 $0x1B8E;
	s22 =	sld [smem:$0x3FFE];
	[sflag:s21] =	ssyncadd.s32 $0xFFFFFFFF  }
0xa2: {  	s24 =	simm.s32 $execute0_lowered;
	[smem:$0x3FD2] =	sst s23  }
0xa3: {  	s3 =	sshll.u32 s24, $0x1;
	_ =	strace $0x80000046;
	[dreg:$0x1] =	wrdreg $0xFFFFFFFF  }
0xa4: {  	s25 =	simm.s32 $_size_execute0_lowered;
	s1 =	sadd.s32 s1, s3;
	[dreg:$0x0] =	wrdreg $0x0  }
0xa5: {  	s3 =	sshll.u32 s25, $0x1;
	[dreg:$0x2] =	wrdreg s1  }
0xa6: {  	[dreg:$0x3] =	wrdreg s3  }
0xa7: {  	[dreg:$0x4] =	wrdreg $0xC0  }
0xa8: {  	_ =	task [dreg:s5], $0x5FFFF  }
0xa9: {  	[dreg:$0x1] =	wrdreg $0xFFFFFFFF  }
0xaa: {  	[dreg:$0x0] =	wrdreg $0x60  }
0xab: {  	[dreg:$0x2] =	wrdreg s22  }
0xac: {  	[dreg:$0x3] =	wrdreg s0  }
0xad: {  	[dreg:$0x4] =	wrdreg $0x53800  }
0xae: {  	[dreg:$0x5] =	wrdreg $0x9  }
0xaf: {  	_ =	task.clear_ibuf [dreg:s5], $0x6FFFF;
	_ =	strace $0x90000046  }
0xb0: {  	s26 =	simm.s32 $0x9;
	_ =	strace $0x80000048  }
0xb1: {  	_ =	swait.ge [sflag:s26], $0x1  }
0xb2: {  	[sflag:s26] =	ssyncadd.s32 $0xFFFFFFFF  }
0xb3: {  	_ =	strace $0x90000048  }
0xb4: {  	_ =	sfence  }
0xb5: {  	s28 =	sld [smem:$0x0];
	_ =	sdelay $0x1  }
0xb6: {  	s29 =	srdreg.scid  }
0xb7: {  	s30 =	sshll.u32 s29, $0xD;
	s31 =	sshrl.u32 s29, $0x2  }
0xb8: {  	s2 =	sand.u32 $0x4000, s30;
	s1 =	sand.u32 $0x1, s29;
	s0 =	sadd.s32 s31, s28  }
0xb9: {  	s1 =	sor.u32 s2, s1;
	s0 =	sshll.u32 s0, $0x11  }
0xba: {  	s0 =	sor.u32 s0, s1  }
0xbb: {  	s0 =	sadd.s32 $0x8F2B, s0  }
0xbc: {  	[sflag:s0] =	ssyncadd.remote.s32 $0x1  }
0xbd: {  	_ =	sfence.sel $0xFFFF  }
0xbe: {  	[dreg:$0x0] =	wrdreg $0xFFFFFFFF;
	(pc) =	sbr.abs _section_cstart, $3  }
0xbf: {  	[dreg:$0x1] =	wrdreg $0xFFFFFFFF  }
0xc0: {  	_ =	task.clear_ibuf [dreg:s5], $0x2FFFF;
	_ =	strace $0x9FFFFFFF  }
0xc1: {  	(tm) =	ssettm $0x7FFFFFFF  }
tec
execute0_lowered:
.L_overlay_start_1:
0x0: {  	(tag) =	ssettag $0x1  }
0x1: {  	s5 =	rddreg [dreg:$0x0]  }
0x2: {  	s3 =	rddreg [dreg:$0x1]  }
0x3: {  	s1 =	rddreg [dreg:$0x2]  }
0x4: {  	s0 =	rddreg [dreg:$0x3];
	s4 =	simm.s32 $0x0  }
0x5: {  	[smem:$0x7FF] =	sst s4  }
0x6: {  	s2 =	stileid.u32;
	s6 =	simm.s32 $0x53A0;
	_ =	strace $0x80000047  }
0x7: {  	[tilespmem:s6], [sflag:$0x2] =	stream.linear.gather [hbm4b:s3+s4], $0x1, $0x38;
	[tilespmem:$0x5420] =	vst v63  }
0x8: {  	s3 =	smul.u32 $0x500, s2  }
0x9: {  	s21 =	simm.s32 $0x2  }
0xa: {  	_ =	swait.ge [sflag:s21], $0x1;
	s7 =	sshrl.u32 s3, $0x3  }
0xb: {  	[sflag:s21] =	ssyncset.done $0x0;
	s7 =	sadd.s32 s7, s5  }
0xc: {  	[sflag:s21] =	ssyncadd.s32 $0xFFFFFFFF;
	s22 =	sadd.s32 $0x2600, s7  }
0xd: {  	v1 =	vld [tilespmem:$0x53A0];
	[tilespmem:s4], [sflag:$0x1] =	stream.linear.gather [hbm4b:s22+s4], $0x500, $0x38  }
0xe: {  	s8 =	simm.s32 $0x500;
	s23 =	sadd.s32 $0x1200, s7  }
0xf: {  	[tilespmem:s8], [sflag:$0x1] =	stream.linear.gather [hbm4b:s23+s4], $0x500, $0x38;
	[tilespmem:$0x5420] =	vst v63  }
0x10: {  	s25 =	simm.s32 $0xA00;
	s24 =	sadd.s32 $0x1C00, s7  }
0x11: {  	[tilespmem:s25], [sflag:$0x1] =	stream.linear.gather [hbm4b:s24+s4], $0x500, $0x38;
	[tilespmem:$0x5420] =	vst v63  }
0x12: {  	s28 =	simm.s32 $0xF00;
	s26 =	sadd.s32 $0x800, s7  }
0x13: {  	[tilespmem:s28], [sflag:$0x1] =	stream.linear.gather [hbm4b:s26+s4], $0x500, $0x38;
	[tilespmem:$0x5420] =	vst v63  }
0x14: {  	s30 =	simm.s32 $0x1900;
	s31 =	simm.s32 $0x1;
	s29 =	sadd.s32 $0x3000, s7  }
0x15: {  	[tilespmem:s30], [sflag:$0x1] =	stream.linear.gather [hbm4b:s29+s4], $0x500, $0x38;
	[tilespmem:$0x5420] =	vst v63  }
0x16: {  	_ =	swait.ge [sflag:s31], $0x500  }
0x17: {  	[sflag:s31] =	ssyncset.done $0x0  }
0x18: {  	[sflag:s31] =	ssyncadd.s32 $0xFFFFFB00  }
0x19: {  	_ =	swait.ge [sflag:s31], $0x500  }
0x1a: {  	[sflag:s31] =	ssyncset.done $0x0  }
0x1b: {  	[sflag:s31] =	ssyncadd.s32 $0xFFFFFB00  }
0x1c: {  	_ =	swait.ge [sflag:s31], $0x500  }
0x1d: {  	[sflag:s31] =	ssyncset.done $0x0  }
0x1e: {  	[sflag:s31] =	ssyncadd.s32 $0xFFFFFB00  }
0x1f: {  	_ =	swait.ge [sflag:s31], $0x500  }
0x20: {  	[sflag:s31] =	ssyncset.done $0x0  }
0x21: {  	[sflag:s31] =	ssyncadd.s32 $0xFFFFFB00  }
0x22: {  	_ =	swait.ge [sflag:s31], $0x500  }
0x23: {  	[sflag:s31] =	ssyncset.done $0x0  }
0x24: {  	s8 =	simm.s32 $0x0;
	[sflag:s31] =	ssyncadd.s32 $0xFFFFFB00  }
0x25: {  	v2 =	vld [tilespmem:s8+$0x1900]  }
0x26: {  	v3 =	vld [tilespmem:s8+$0x0]  }
0x27: {  	v4 =	vld [tilespmem:s8+$0x1910]  }
0x28: {  	v5 =	vld [tilespmem:s8+$0x500]  }
0x29: {  	v6 =	vld [tilespmem:s8+$0x1920]  }
0x2a: {  	v8 =	vld [tilespmem:s8+$0xA00]  }
0x2b: {  	v7 =	vld [tilespmem:s8+$0x1930]  }
0x2c: {  	v9 =	vld [tilespmem:s8+$0xF00]  }
0x2d: {  	v11 =	vld [tilespmem:s8+$0x10]  }
0x2e: {  	v12 =	vld [tilespmem:s8+$0x510]  }
0x2f: {  	v13 =	vld [tilespmem:s8+$0xA10]  }
0x30: {  	v14 =	vld [tilespmem:s8+$0xF10];
	_ =	sdelay $0x1  }
0x31: {  	v10 =	vimm.f32 $-3.000000010e+38;
	v16 =	vimm.s32 $0x5000;
	v0 =	vbroadcast v1, $0x0  }
0x32: {  	vm0 =	vgt.f32 v2, $5.000000070e-02;
	vm10 =	vgt.f32 v4, $5.000000070e-02;
	vm11 =	vgt.f32 v6, $5.000000070e-02  }
0x33: {  	vm12 =	vgt.f32 v7, $5.000000070e-02;
	v3 =	vsub.f32 v8, v3;
	v5 =	vsub.f32 v9, v5  }
0x34: {  	v15 =	vld [tilespmem:s8+$0x20];
	v11 =	vsub.f32 v13, v11;
	v12 =	vsub.f32 v14, v12;
	v2 =	vsel vm0, v2, v0  }
0x35: {  	v9 =	vld [tilespmem:s8+$0xA20];
	v4 =	vsel vm10, v4, v0;
	v6 =	vsel vm11, v6, v0;
	vm1 =	vgt.f32 v2, v10  }
0x36: {  	v17 =	vsel vm12, v7, v0;
	v5 =	vmul.f32 v5, v3;
	v10 =	vsel vm1, v2, v10  }
0x37: {  	s4 =	sadd.s32 $0x10, s3;
	v7 =	vld [tilespmem:s8+$0x520];
	[tilespmem:s8+$0x1900] =	vst v2;
	v12 =	vmul.f32 v12, v11;
	v2 =	vlaneseq.u32;
	vm13 =	vgt.f32 v4, v10  }
0x38: {  	s6 =	sadd.s32 $0x20, s3;
	[tilespmem:s8+$0x1910] =	vst v4;
	v8 =	vor.u32 s3, v2;
	v63 =	vor.u32 s4, v2;
	v4 =	vsel vm13, v4, v10;
	v10 =	vld [tilespmem:s8+$0xF20]  }
0x39: {  	v3 =	vld [tilespmem:s8+$0x30];
	v13 =	vor.u32 s6, v2;
	v8 =	vsel vm1, v8, v16;
	vm14 =	vgt.f32 v6, v4  }
0x3a: {  	s7 =	sadd.s32 $0x30, s3;
	[tilespmem:s8+$0x1920] =	vst v6;
	v11 =	vsub.f32 v9, v15;
	v9 =	vld [tilespmem:s8+$0xF30];
	v8 =	vsel vm13, v63, v8;
	v6 =	vsel vm14, v6, v4  }
0x3b: {  	s9 =	simm.s32 $0x40;
	[tilespmem:s8+$0x1400] =	vst v5;
	v5 =	vsel vm14, v13, v8;
	v13 =	vor.u32 s7, v2;
	v8 =	vld [tilespmem:s8+$0xA30];
	vm15 =	vgt.f32 v17, v6  }
0x3c: {  	s11 =	simm.s32 $0x200;
	s10 =	smov.u32 s3;
	s5 =	sadd.s32 $0x3A00, s5;
	[tilespmem:s8+$0x1930] =	vst v17;
	v4 =	vld [tilespmem:s8+$0x530];
	v6 =	vsel vm15, v17, v6;
	v5 =	vsel vm15, v13, v5  }
.LBB2_1:
0x3d: {  	p0 =	sne.s32 s11, $0x1300;
	v13 =	vld [tilespmem:s9+$0x1900];
	[tilespmem:s8+$0x1410] =	vst v12;
	v7 =	vsub.f32 v10, v7  }
0x3e: {  	v10 =	vld [tilespmem:s9+$0x0]  }
0x3f: {  	v12 =	vld [tilespmem:s9+$0x1910];
	v7 =	vmul.f32 v7, v11  }
0x40: {  	v11 =	vld [tilespmem:s9+$0x500];
	v3 =	vsub.f32 v8, v3  }
0x41: {  	v8 =	vld [tilespmem:s9+$0x1920];
	[tilespmem:s8+$0x1420] =	vst v7;
	v4 =	vsub.f32 v9, v4  }
0x42: {  	vm0 =	vgt.f32 v13, $5.000000070e-02;
	v7 =	vld [tilespmem:s9+$0xA00]  }
0x43: {  	s10 =	sadd.s32 $0x40, s10;
	v9 =	vsel vm0, v13, v0;
	v13 =	vld [tilespmem:s9+$0x1930];
	v3 =	vmul.f32 v4, v3  }
0x44: {  	v14 =	vor.u32 s10, v2;
	[tilespmem:s9+$0x1900] =	vst v9;
	v4 =	vld [tilespmem:s9+$0xF00];
	vm0 =	vgt.f32 v9, v6;
	vm1 =	vgt.f32 v12, $5.000000070e-02  }
0x45: {  	s12 =	sadd.s32 $0x10, s10;
	v6 =	vsel vm0, v9, v6;
	v5 =	vsel vm0, v14, v5;
	v9 =	vsel vm1, v12, v0;
	v12 =	vld [tilespmem:s9+$0x10];
	[tilespmem:s8+$0x1430] =	vst v3;
	s8 =	smov.u32 s9  }
0x46: {  	v14 =	vor.u32 s12, v2;
	[tilespmem:s8+$0x1910] =	vst v9;
	v3 =	vld [tilespmem:s8+$0x510];
	vm0 =	vgt.f32 v9, v6;
	vm1 =	vgt.f32 v8, $5.000000070e-02  }
0x47: {  	s9 =	sadd.s32 $0x20, s10;
	v15 =	vld [tilespmem:s8+$0xA10];
	v6 =	vsel vm0, v9, v6;
	v5 =	vsel vm0, v14, v5;
	v8 =	vsel vm1, v8, v0  }
0x48: {  	v14 =	vor.u32 s9, v2;
	v9 =	vld [tilespmem:s8+$0xF10];
	[tilespmem:s8+$0x1920] =	vst v8;
	vm0 =	vgt.f32 v8, v6;
	vm1 =	vgt.f32 v13, $5.000000070e-02  }
0x49: {  	s9 =	sadd.s32 $0x30, s10;
	v16 =	vld [tilespmem:s8+$0x20];
	v6 =	vsel vm0, v8, v6;
	v5 =	vsel vm0, v14, v5;
	v8 =	vsel vm1, v13, v0  }
0x4a: {  	v13 =	vsub.f32 v7, v10;
	v10 =	vor.u32 s9, v2;
	v7 =	vld [tilespmem:s8+$0x520];
	[tilespmem:s8+$0x1930] =	vst v8;
	vm0 =	vgt.f32 v8, v6  }
0x4b: {  	v4 =	vsub.f32 v4, v11;
	v11 =	vld [tilespmem:s8+$0xA20];
	v6 =	vsel vm0, v8, v6;
	v5 =	vsel vm0, v10, v5  }
.Ltmp0:
0x4c: {  	v8 =	vsub.f32 v15, v12;
	v10 =	vld [tilespmem:s8+$0xF20];
	(pc) =	sbr.rel @p0 .LBB2_1-.Ltmp0, $4  }
0x4d: {  	v12 =	vmul.f32 v4, v13;
	v9 =	vsub.f32 v9, v3;
	v3 =	vld [tilespmem:s8+$0x30]  }
0x4e: {  	v4 =	vld [tilespmem:s8+$0x530]  }
0x4f: {  	[tilespmem:s8+$0x1400] =	vst v12;
	v12 =	vmul.f32 v9, v8;
	v8 =	vld [tilespmem:s8+$0xA30]  }
0x50: {  	s9 =	sshra.s32 s11, $0x2;
	s11 =	sadd.s32 $0x100, s11;
	v11 =	vsub.f32 v11, v16;
	v9 =	vld [tilespmem:s8+$0xF30]  }
0x51: {  	v13 =	vld [tilespmem:s9+$0x1900]  }
0x52: {  	[tilespmem:s8+$0x1410] =	vst v12;
	v7 =	vsub.f32 v10, v7  }
0x53: {  	v12 =	vld [tilespmem:s9+$0x1910]  }
0x54: {  	v10 =	vld [tilespmem:s9+$0x0];
	v7 =	vmul.f32 v7, v11  }
0x55: {  	v14 =	vld [tilespmem:s9+$0x1920]  }
0x56: {  	v11 =	vld [tilespmem:s9+$0x500];
	[tilespmem:s8+$0x1420] =	vst v7;
	vm0 =	vgt.f32 v13, $5.000000070e-02  }
0x57: {  	v59 =	vld [tilespmem:s9+$0x1930];
	v7 =	vsel vm0, v13, v0  }
0x58: {  	vm1 =	vgt.f32 v12, $5.000000070e-02;
	vm0 =	vgt.f32 v7, v6  }
0x59: {  	v12 =	vsel vm1, v12, v0;
	v6 =	vsel vm0, v7, v6  }
0x5a: {  	vm2 =	vgt.f32 v14, $5.000000070e-02;
	vm1 =	vgt.f32 v12, v6  }
0x5b: {  	v14 =	vsel vm2, v14, v0;
	v6 =	vsel vm1, v12, v6  }
0x5c: {  	vm3 =	vgt.f32 v59, $5.000000070e-02;
	vm2 =	vgt.f32 v14, v6  }
0x5d: {  	v13 =	vsel vm3, v59, v0;
	v6 =	vsel vm2, v14, v6  }
0x5e: {  	vm3 =	vgt.f32 v13, v6  }
0x5f: {  	v6 =	vsel vm3, v13, v6  }
0x60: {  	(xrf0) =	vmax.scan.msk.f32 $0xffff, v6;
	_ =	sdelay $0x2  }
0x61: {  	s10 =	sadd.s32 $0x40, s10  }
0x62: {  	v15 =	vor.u32 s10, v2;
	s11 =	sadd.s32 $0x10, s10  }
0x63: {  	s30 =	sadd.s32 $0x20, s10;
	v60 =	vor.u32 s11, v2;
	v5 =	vsel vm0, v15, v5  }
0x64: {  	s10 =	sadd.s32 $0x30, s10;
	v61 =	vor.u32 s30, v2;
	v5 =	vsel vm1, v60, v5;
	v16, _, _ =	vpop (xrf0)  }
0x65: {  	v2 =	vor.u32 s10, v2;
	v5 =	vsel vm2, v61, v5;
	v62 =	vbroadcast v16, $0xF  }
0x66: {  	v2 =	vsel vm3, v2, v5  }
0x67: {  	v2 =	vxor.u32 $0x80000000, v2;
	vm0 =	veq.f32 v6, v62  }
0x68: {  	v2 =	vnsel vm0, $0x80005000, v2  }
0x69: {  	(xrf0) =	vmin.scan.msk.u32 $0xffff, v2;
	_ =	sdelay $0x5  }
0x6a: {  	(v2sf) =	vpush v1, $0x0;
	v1, _, _ =	vpop (xrf0)  }
0x6b: {  	(v2sf) =	vpush v1, $0xF;
	_ =	sdelay $0x2  }
0x6c: {  	v2 =	vsub.f32 v8, v3;
	v3 =	vsub.f32 v9, v4;
	_ =	sdelay $0x1  }
0x6d: {  	v4 =	vld [tilespmem:s9+$0xA00];
	v1 =	vmul.f32 v3, v2  }
0x6e: {  	[tilespmem:s9+$0x1900] =	vst v7;
	v2 =	vld [tilespmem:s9+$0xF00]  }
0x6f: {  	v3 =	vld [tilespmem:s9+$0x10];
	[tilespmem:s8+$0x1430] =	vst v1  }
0x70: {  	v1 =	vld [tilespmem:s9+$0x510]  }
0x71: {  	v5 =	vld [tilespmem:s9+$0xA10]  }
0x72: {  	v6 =	vld [tilespmem:s9+$0xF10]  }
0x73: {  	v7 =	vld [tilespmem:s9+$0x20]  }
0x74: {  	v8 =	vld [tilespmem:s9+$0x520]  }
0x75: {  	v9 =	vld [tilespmem:s9+$0xA20]  }
0x76: {  	s18 =	spop (v2sf);
	v4 =	vsub.f32 v4, v10;
	v10 =	vld [tilespmem:s9+$0xF20];
	v2 =	vsub.f32 v2, v11  }
0x77: {  	v63 =	vld [tilespmem:s9+$0xF30];
	s31 =	spop (v2sf)  }
0x78: {  	v11 =	vld [tilespmem:s9+$0x530];
	v2 =	vmul.f32 v2, v4;
	s8 =	sxor.u32 $0x80000000, s31  }
0x79: {  	v4 =	vld [tilespmem:s9+$0x30];
	s8 =	ssub.s32 s8, s3  }
0x7a: {  	[tilespmem:s9+$0x1400] =	vst v2;
	v2 =	vld [tilespmem:s9+$0xA30];
	p0 =	sgt.s32 s8, $0x0  }
0x7b: {  	s8 =	simm.s32 @!p0 $0x0  }
0x7c: {  	s20 =	smin.u32 s8, $0x4FF  }
0x7d: {  	v3 =	vsub.f32 v5, v3;
	v1 =	vsub.f32 v6, v1;
	v5 =	vmov s20  }
0x7e: {  	[tilespmem:s9+$0x1910] =	vst v12;
	v6 =	vsub.f32 v9, v7;
	v7 =	vsub.f32 v10, v8;
	v5 =	vbroadcast v5, $0x0  }
0x7f: {  	[tilespmem:s9+$0x1920] =	vst v14;
	v1 =	vmul.f32 v1, v3;
	v3 =	vsub.f32 v63, v11;
	v2 =	vsub.f32 v2, v4  }
0x80: {  	[tilespmem:s9+$0x1930] =	vst v13;
	v4 =	vmul.f32 v7, v6  }
0x81: {  	[tilespmem:s9+$0x1410] =	vst v1;
	v1 =	vmul.f32 v3, v2  }
0x82: {  	[tilespmem:s9+$0x1420] =	vst v4  }
0x83: {  	[tilespmem:s9+$0x1430] =	vst v1;
	s8 =	simm.s32 $0xF00  }
0x84: {  	s9 =	simm.s32 $0xA00;
	v1 =	vld.idx.msk [tilespmem:v5+s8+$0x0], $0xffff  }
0x85: {  	s10 =	simm.s32 $0x500;
	v2 =	vld.idx.msk [tilespmem:v5+s9+$0x0], $0xffff  }
0x86: {  	s11 =	simm.s32 $0x0;
	v3 =	vld.idx.msk [tilespmem:v5+s10+$0x0], $0xffff  }
0x87: {  	v4 =	vld.idx.msk [tilespmem:v5+s11+$0x0], $0xffff  }
0x88: {  	vm0 =	vcmask $0x3F14  }
0x89: {  	v1 =	vsel vm0, $0x0, v1;
	vm0 =	vcmask $0x3F10  }
0x8a: {  	vm2 =	vcmask $0x3F0C;
	v1 =	vsel vm0, v1, v2  }
0x8b: {  	s12 =	sshll.u32 s2, $0x5;
	vm3 =	vcmask $0x3F08;
	v1 =	vsel vm2, v1, v3  }
0x8c: {  	s13 =	sshll.u32 s2, $0x4;
	vm4 =	vcmask $0x3F04;
	s12 =	sand.u32 $0x100, s12;
	v1 =	vsel vm3, v1, v4  }
0x8d: {  	s13 =	sand.u32 $0x70, s13;
	s12 =	sadd.s32 s12, s1;
	v1 =	vsel vm4, v1, v62  }
0x8e: {  	s14 =	simm.s32 $0x2;
	s12 =	sadd.s32 s13, s12;
	s13 =	simm.s32 $0x1E00;
	[tilespmem:$0x1E00] =	vst v1  }
0x8f: {  	[spmem:s12] =	stream.linear.scatter [tilespmem:s13], [sflag:$0x2], $0x10, $0x38;
	[tilespmem:$0x5420] =	vst v63  }
0x90: {  	_ =	swait.ge [sflag:s14], $0x10  }
0x91: {  	v1 =	vlaneseq.u32;
	[sflag:s14] =	ssyncset.done $0x0  }
0x92: {  	s15 =	simm.s32 $0x80;
	v2 =	vmul.u32 $0x10, v1;
	[sflag:s14] =	ssyncadd.s32 $0xFFFFFFF0  }
0x93: {  	s16 =	simm.s32 $0x100;
	s17 =	simm.s32 $0x1E80;
	[bflag:$0x0] =	sbarrier.arrive $0xFFFF  }
0x94: {  	[tilespmem:s17], [sflag:$0x2] =	stream.strided.gather [spmem:s1], $0x100, s16, s15, $0x38;
	[tilespmem:$0x5420] =	vst v63  }
0x95: {  	_ =	swait.ge [sflag:s14], $0x100  }
0x96: {  	[sflag:s14] =	ssyncset.done $0x0  }
0x97: {  	[sflag:s14] =	ssyncadd.s32 $0xFFFFFF00  }
0x98: {  	v3 =	vld.idx.msk [tilespmem:v2+s17+$0x0], $0xffff;
	_ =	sdelay $0x4  }
0x99: {  	(xrf0) =	vmax.scan.msk.f32 $0xffff, v3;
	_ =	sdelay $0x5  }
0x9a: {  	v4, _, _ =	vpop (xrf0)  }
0x9b: {  	v4 =	vbroadcast v4, $0xF;
	_ =	sdelay $0x1  }
0x9c: {  	vm5 =	veq.f32 v3, v4;
	v3 =	vor.u32 $0x80000000, v1  }
0x9d: {  	v5 =	vnsel vm5, $0x80000063, v3  }
0x9e: {  	(xrf0) =	vmin.scan.msk.u32 $0xffff, v5;
	_ =	sdelay $0x5  }
0x9f: {  	v5, _, _ =	vpop (xrf0)  }
0xa0: {  	(v2sf) =	vpush v5, $0xF;
	_ =	sdelay $0xe  }
0xa1: {  	s19 =	spop (v2sf)  }
0xa2: {  	s21 =	sshll.u32 s19, $0x4  }
0xa3: {  	v5 =	vmov s21  }
0xa4: {  	v6 =	vor.u32 $0x1, v5  }
0xa5: {  	v7 =	vor.u32 $0x2, v5  }
0xa6: {  	v8 =	vor.u32 $0x3, v5  }
0xa7: {  	v9 =	vor.u32 $0x4, v5;
	_ =	sdelay $0x1  }
0xa8: {  	v6 =	vld.idx.msk [tilespmem:v6+s17+$0x0], $0xffff  }
0xa9: {  	s18 =	smul.f32 $5.000000000e-01, s18;
	p0 =	sne.s32 s2, $0x0;
	v7 =	vld.idx.msk [tilespmem:v7+s17+$0x0], $0xffff  }
0xaa: {  	vm7 =	vcmask @!p0 $0x3F14;
	vm8 =	vcmask @!p0 $0x3F10;
	vm9 =	vcmask @!p0 $0x3F0C;
	v8 =	vld.idx.msk [tilespmem:v8+s17+$0x0], $0xffff  }
0xab: {  	vm6 =	vcmask @!p0 $0x3F08;
	vm5 =	vmmov @!p0 $0x1;
	v5 =	vmov s18;
	s18 =	simm.s32 $0x0;
	v9 =	vld.idx.msk [tilespmem:v9+s17+$0x0], $0xffff  }
.LBB2_3:
0xac: {  	s19 =	sxor.u32 s2, s19  }
0xad: {  	p1 =	sne.s32 s19, $0x80000000  }
0xae: {  	v10 =	vmov @!p1 s20  }
0xaf: {  	v10 =	vand.u32 @!p1 $0x7FF, v10  }
0xb0: {  	v10 =	vbroadcast @!p1 v10, $0x0;
	_ =	sdelay $0x4  }
0xb1: {  	s19 =	simm.s32 @!p1 $0x1900  }
0xb2: {  	s20 =	simm.s32 $0x0;
	[tilespmem:v10+s19+$0x0] =	vst.idx.msk @!p1 $0x1, v0  }
0xb3: {  	v12 =	vld [tilespmem:s20+$0x1420]  }
0xb4: {  	v13 =	vld [tilespmem:s20+$0x1410]  }
0xb5: {  	v14 =	vld [tilespmem:s20+$0xA30]  }
0xb6: {  	v15 =	vld [tilespmem:s20+$0x30]  }
0xb7: {  	v16 =	vld [tilespmem:s20+$0xF30]  }
0xb8: {  	v17 =	vld [tilespmem:s20+$0x530]  }
0xb9: {  	v18 =	vld [tilespmem:s20+$0x1400]  }
0xba: {  	v19 =	vld [tilespmem:s20+$0xA20]  }
0xbb: {  	v20 =	vld [tilespmem:s20+$0x20]  }
0xbc: {  	v21 =	vld [tilespmem:s20+$0xF20]  }
0xbd: {  	v22 =	vld [tilespmem:s20+$0x520]  }
0xbe: {  	v23 =	vld [tilespmem:s20+$0xA10]  }
0xbf: {  	v24 =	vld [tilespmem:s20+$0x10]  }
0xc0: {  	v11 =	vsub.f32 v9, v7;
	v10 =	vsub.f32 v8, v6;
	v25 =	vld [tilespmem:s20+$0xF10]  }
0xc1: {  	v26 =	vld [tilespmem:s20+$0xA00]  }
0xc2: {  	v27 =	vld [tilespmem:s20+$0x0];
	v10 =	vmul.f32 v11, v10  }
0xc3: {  	v28 =	vld [tilespmem:s20+$0xF00]  }
0xc4: {  	v11 =	vimm.f32 $-3.000000010e+38;
	v13 =	vadd.f32 v13, v10;
	v29 =	vadd.f32 v12, v10;
	v12 =	vld [tilespmem:s20+$0x500]  }
0xc5: {  	v30 =	vld [tilespmem:s20+$0x510];
	v14 =	vmin.f32 v8, v14;
	v15 =	vmax.f32 v6, v15;
	v16 =	vmin.f32 v9, v16  }
0xc6: {  	s19 =	simm.s32 $0x40;
	v31 =	vld [tilespmem:s20+$0x1430];
	v17 =	vmax.f32 v7, v17;
	v18 =	vadd.f32 v18, v10;
	v19 =	vmin.f32 v8, v19  }
0xc7: {  	v32 =	vld [tilespmem:s19+$0x1420];
	v20 =	vmax.f32 v6, v20;
	v21 =	vmin.f32 v9, v21;
	v22 =	vmax.f32 v7, v22  }
0xc8: {  	v33 =	vld [tilespmem:s19+$0x1410];
	v23 =	vmin.f32 v8, v23;
	v24 =	vmax.f32 v6, v24;
	v26 =	vmin.f32 v8, v26  }
0xc9: {  	v34 =	vld [tilespmem:s19+$0xA30];
	v27 =	vmax.f32 v6, v27;
	v28 =	vmin.f32 v9, v28;
	v12 =	vmax.f32 v7, v12  }
0xca: {  	v35 =	vld [tilespmem:s19+$0xF20];
	v25 =	vmin.f32 v9, v25;
	v26 =	vsub.f32 v26, v27;
	v12 =	vsub.f32 v28, v12  }
0xcb: {  	v36 =	vld [tilespmem:s19+$0x520];
	v14 =	vsub.f32 v14, v15;
	v15 =	vsub.f32 v23, v24;
	v28 =	vmax.f32 v7, v30  }
0xcc: {  	v37 =	vld [tilespmem:s19+$0xA10];
	v26 =	vmax.f32 v26, $0.0e+00;
	v24 =	vsub.f32 v25, v28;
	v12 =	vmax.f32 v12, $0.0e+00  }
0xcd: {  	v38 =	vld [tilespmem:s19+$0x510];
	v19 =	vsub.f32 v19, v20;
	v16 =	vsub.f32 v16, v17;
	v26 =	vmul.f32 v12, v26  }
0xce: {  	v27 =	vld [tilespmem:s19+$0x30];
	v17 =	vsub.f32 v21, v22;
	v12 =	vmax.f32 v15, $0.0e+00;
	v15 =	vmax.f32 v24, $0.0e+00  }
0xcf: {  	v23 =	vld [tilespmem:s19+$0xF30];
	v14 =	vmax.f32 v14, $0.0e+00;
	v21 =	vmul.f32 v15, v12;
	v18 =	vsub.f32 v18, v26  }
0xd0: {  	v40 =	vld [tilespmem:s19+$0xA00];
	v16 =	vmax.f32 v16, $0.0e+00;
	v12 =	vmax.f32 v19, $0.0e+00;
	v15 =	vmax.f32 v17, $0.0e+00  }
0xd1: {  	v41 =	vld [tilespmem:s19+$0x0];
	v20 =	vmul.f32 v15, v12;
	v13 =	vsub.f32 v13, v21;
	v17 =	vadd.f32 $9.999999710e-10, v18  }
0xd2: {  	v42 =	vmin.f32 v8, v34;
	v30 =	vld [tilespmem:s19+$0xA20];
	v18 =	vmul.f32 v16, v14;
	v16 =	vadd.f32 v31, v10  }
0xd3: {  	v25 =	vld [tilespmem:s19+$0x530];
	v22 =	vsub.f32 v29, v20;
	v19 =	vadd.f32 $9.999999710e-10, v13;
	(erf) = vrcp.f32 v17  }
0xd4: {  	v27 =	vmax.f32 v6, v27;
	v43 =	vmin.f32 v9, v23;
	v23 =	vmin.f32 v9, v35;
	v24 =	vld [tilespmem:s19+$0x20]  }
0xd5: {  	v63 =	vld [tilespmem:s19+$0xF00];
	v22 =	vadd.f32 $9.999999710e-10, v22;
	v39 =	vsub.f32 v16, v18;
	(erf) = vrcp.f32 v19  }
0xd6: {  	v35 =	vmax.f32 v7, v38;
	v28 =	vld [tilespmem:s19+$0x1400];
	v12 =	vimm.s32 $0x5000;
	v15 =	vor.u32 s3, v1  }
0xd7: {  	v46 =	vmin.f32 v8, v30;
	v31 =	vld [tilespmem:s19+$0x10];
	v62 =	vadd.f32 $9.999999710e-10, v39;
	(erf) = vrcp.f32 v22  }
0xd8: {  	v44 =	vmax.f32 v7, v25;
	v25 =	vsub.f32 v42, v27;
	v29 =	vld [tilespmem:s19+$0xF10];
	v14 =	vor.u32 s6, v1  }
0xd9: {  	v45 =	vld [tilespmem:s19+$0x500];
	v13 =	vor.u32 s7, v1;
	v47 =	vmax.f32 v6, v24;
	(erf) = vrcp.f32 v62  }
0xda: {  	v24 =	vmax.f32 v7, v36;
	v36 =	vmin.f32 v8, v40;
	v17 =	vadd.f32 v32, v10  }
0xdb: {  	v30 =	vld [tilespmem:s20+$0x1900];
	v16 =	vor.u32 s4, v1;
	v27 =	vsub.f32 v46, v47;
	v19 =	vadd.f32 v33, v10  }
0xdc: {  	v33 =	vmin.f32 v8, v37;
	v37 =	vmax.f32 v6, v41;
	v22 =	vadd.f32 v28, v10;
	v28 =	vpop (erf)  }
0xdd: {  	v34 =	vmax.f32 v6, v31;
	v32 =	vmin.f32 v9, v29;
	v38 =	vmul.f32 v28, v26;
	v28 =	vld [tilespmem:s20+$0x1910]  }
0xde: {  	s22 =	simm.s32 $0x200;
	s21 =	smov.u32 s3;
	v29 =	vmin.f32 v9, v63;
	v31 =	vmax.f32 v7, v45;
	v26 =	vsub.f32 v43, v44;
	v39 =	vpop (erf)  }
.LBB2_4:
0xdf: {  	p1 =	sne.s32 s22, $0x1300;
	v33 =	vsub.f32 v33, v34;
	vm10 =	vgt.f32 v38, $5.000000000e-01;
	v21 =	vmul.f32 v39, v21;
	v34 =	vld [tilespmem:s20+$0x1920]  }
0xe0: {  	v36 =	vsub.f32 v36, v37;
	v32 =	vsub.f32 v32, v35;
	v35 =	vld [tilespmem:s19+$0x1430];
	v30 =	vsel vm10, v0, v30;
	v37 =	vpop (erf)  }
0xe1: {  	s23 =	sshra.s32 s22, $0x2;
	[tilespmem:s20+$0x1900] =	vst v30;
	vm10 =	vgt.f32 v30, v11;
	vm11 =	vgt.f32 v21, $5.000000000e-01;
	v20 =	vmul.f32 v37, v20;
	v21 =	vld [tilespmem:s20+$0x1930]  }
0xe2: {  	v37 =	vld [tilespmem:s23+$0x1420];
	v11 =	vsel vm10, v30, v11;
	v12 =	vsel vm10, v15, v12;
	v15 =	vsel vm11, v0, v28;
	v28 =	vpop (erf)  }
0xe3: {  	v30 =	vld [tilespmem:s23+$0x1410];
	[tilespmem:s20+$0x1910] =	vst v15;
	vm10 =	vgt.f32 v15, v11;
	vm11 =	vgt.f32 v20, $5.000000000e-01;
	v18 =	vmul.f32 v28, v18  }
0xe4: {  	v28 =	vld [tilespmem:s23+$0xA30];
	v11 =	vsel vm10, v15, v11;
	v12 =	vsel vm10, v16, v12;
	v15 =	vsel vm11, v0, v34  }
0xe5: {  	v16 =	vsub.f32 v29, v31;
	v34 =	vld [tilespmem:s23+$0x30];
	[tilespmem:s20+$0x1920] =	vst v15;
	vm10 =	vgt.f32 v15, v11;
	vm11 =	vgt.f32 v18, $5.000000000e-01  }
0xe6: {  	v29 =	vld [tilespmem:s23+$0xF30];
	v11 =	vsel vm10, v15, v11;
	v12 =	vsel vm10, v14, v12;
	v14 =	vsel vm11, v0, v21  }
0xe7: {  	v15 =	vmax.f32 v36, $0.0e+00;
	v16 =	vmax.f32 v16, $0.0e+00;
	v31 =	vld [tilespmem:s23+$0x530];
	[tilespmem:s20+$0x1930] =	vst v14;
	vm10 =	vgt.f32 v14, v11;
	s20 =	smov.u32 s19;
	s19 =	smov.u32 s23  }
0xe8: {  	v38 =	vmul.f32 v16, v15;
	v36 =	vld [tilespmem:s19+$0x1400];
	v11 =	vsel vm10, v14, v11;
	v12 =	vsel vm10, v13, v12  }
0xe9: {  	v15 =	vsub.f32 v23, v24;
	v13 =	vmax.f32 v33, $0.0e+00;
	v14 =	vmax.f32 v32, $0.0e+00;
	v39 =	vld [tilespmem:s19+$0xA20]  }
0xea: {  	v16 =	vsub.f32 v22, v38;
	v21 =	vmul.f32 v14, v13;
	v13 =	vmax.f32 v25, $0.0e+00;
	v23 =	vld [tilespmem:s19+$0x20]  }
0xeb: {  	v18 =	vmax.f32 v26, $0.0e+00;
	v14 =	vmax.f32 v27, $0.0e+00;
	v15 =	vmax.f32 v15, $0.0e+00;
	v24 =	vld [tilespmem:s19+$0xF20]  }
0xec: {  	v20 =	vmul.f32 v15, v14;
	v16 =	vadd.f32 $9.999999710e-10, v16;
	v19 =	vsub.f32 v19, v21;
	v25 =	vld [tilespmem:s19+$0x520]  }
0xed: {  	s21 =	sadd.s32 $0x40, s21;
	v22 =	vadd.f32 v35, v10;
	v18 =	vmul.f32 v18, v13;
	v26 =	vld [tilespmem:s19+$0xA10]  }
0xee: {  	s24 =	sadd.s32 $0x30, s21;
	s23 =	sadd.s32 $0x20, s21;
	v17 =	vsub.f32 v17, v20;
	v19 =	vadd.f32 $9.999999710e-10, v19;
	v27 =	vld [tilespmem:s19+$0x10];
	(erf) = vrcp.f32 v16  }
0xef: {  	v15 =	vor.u32 s21, v1;
	v14 =	vor.u32 s23, v1;
	v13 =	vor.u32 s24, v1;
	v32 =	vld [tilespmem:s19+$0xF10]  }
0xf0: {  	s23 =	sadd.s32 $0x10, s21;
	v22 =	vsub.f32 v22, v18;
	v33 =	vadd.f32 $9.999999710e-10, v17;
	v35 =	vld [tilespmem:s19+$0x510];
	(erf) = vrcp.f32 v19  }
0xf1: {  	v17 =	vadd.f32 v37, v10;
	v16 =	vor.u32 s23, v1;
	v19 =	vadd.f32 v30, v10;
	v40 =	vld [tilespmem:s19+$0xA00]  }
0xf2: {  	v28 =	vmin.f32 v8, v28;
	v30 =	vadd.f32 $9.999999710e-10, v22;
	v37 =	vld [tilespmem:s19+$0x0];
	(erf) = vrcp.f32 v33  }
0xf3: {  	v42 =	vmax.f32 v6, v34;
	v43 =	vmin.f32 v9, v29;
	v44 =	vmax.f32 v7, v31;
	v41 =	vld [tilespmem:s19+$0xF00]  }
0xf4: {  	v39 =	vmin.f32 v8, v39;
	v22 =	vadd.f32 v36, v10;
	v31 =	vld [tilespmem:s19+$0x500];
	(erf) = vrcp.f32 v30  }
.Ltmp1:
0xf5: {  	v45 =	vmax.f32 v6, v23;
	v23 =	vmin.f32 v9, v24;
	v24 =	vmax.f32 v7, v25;
	(pc) =	sbr.rel @p1 .LBB2_4-.Ltmp1, $4  }
0xf6: {  	v33 =	vmin.f32 v8, v26;
	v34 =	vmax.f32 v6, v27;
	v32 =	vmin.f32 v9, v32;
	v30 =	vld [tilespmem:s20+$0x1900]  }
0xf7: {  	v35 =	vmax.f32 v7, v35;
	v36 =	vmin.f32 v8, v40;
	v37 =	vmax.f32 v6, v37;
	v26 =	vpop (erf)  }
0xf8: {  	v25 =	vsub.f32 v28, v42;
	v29 =	vmin.f32 v9, v41;
	v38 =	vmul.f32 v26, v38;
	v28 =	vld [tilespmem:s20+$0x1910]  }
0xf9: {  	s22 =	sadd.s32 $0x100, s22;
	v27 =	vsub.f32 v39, v45;
	v26 =	vsub.f32 v43, v44;
	v31 =	vmax.f32 v7, v31;
	v39 =	vpop (erf)  }
0xfa: {  	v36 =	vsub.f32 v36, v37;
	v29 =	vsub.f32 v29, v31  }
0xfb: {  	v63 =	vsub.f32 v33, v34  }
0xfc: {  	v32 =	vsub.f32 v32, v35;
	v36 =	vmax.f32 v36, $0.0e+00;
	v29 =	vmax.f32 v29, $0.0e+00  }
0xfd: {  	vm10 =	vgt.f32 v38, $5.000000000e-01;
	v37 =	vld [tilespmem:s19+$0x1430];
	v29 =	vmul.f32 v29, v36  }
0xfe: {  	v23 =	vsub.f32 v23, v24;
	v31 =	vmax.f32 v63, $0.0e+00;
	v32 =	vmax.f32 v32, $0.0e+00  }
0xff: {  	v25 =	vmax.f32 v25, $0.0e+00;
	v40 =	vmul.f32 v32, v31;
	v22 =	vsub.f32 v22, v29  }
0x100: {  	v27 =	vmax.f32 v27, $0.0e+00;
	v26 =	vmax.f32 v26, $0.0e+00;
	v23 =	vmax.f32 v23, $0.0e+00  }
0x101: {  	v23 =	vmul.f32 v23, v27;
	v19 =	vsub.f32 v19, v40;
	v22 =	vadd.f32 $9.999999710e-10, v22  }
0x102: {  	v21 =	vmul.f32 v39, v21;
	v25 =	vmul.f32 v26, v25;
	v10 =	vadd.f32 v37, v10  }
0x103: {  	v41 =	vld [tilespmem:s20+$0x1920];
	v38 =	vpop (erf);
	v17 =	vsub.f32 v17, v23;
	v19 =	vadd.f32 $9.999999710e-10, v19;
	(erf) = vrcp.f32 v22  }
0x104: {  	v42 =	vld [tilespmem:s20+$0x1930];
	v39 =	vsel vm10, v0, v30;
	v20 =	vmul.f32 v38, v20;
	vm10 =	vgt.f32 v21, $5.000000000e-01  }
0x105: {  	v43 =	vpop (erf);
	v17 =	vadd.f32 $9.999999710e-10, v17;
	v10 =	vsub.f32 v10, v25;
	(erf) = vrcp.f32 v19  }
0x106: {  	v44 =	vsel vm10, v0, v28;
	v18 =	vmul.f32 v43, v18  }
0x107: {  	[tilespmem:s20+$0x1900] =	vst v39;
	vm11 =	vgt.f32 v20, $5.000000000e-01;
	v10 =	vadd.f32 $9.999999710e-10, v10;
	(erf) = vrcp.f32 v17  }
0x108: {  	[tilespmem:s20+$0x1910] =	vst v44;
	v20 =	vsel vm11, v0, v41;
	vm10 =	vgt.f32 v18, $5.000000000e-01  }
0x109: {  	[tilespmem:s20+$0x1920] =	vst v20;
	v45 =	vsel vm10, v0, v42;
	vm10 =	vgt.f32 v39, v11;
	(erf) = vrcp.f32 v10  }
0x10a: {  	[tilespmem:s20+$0x1930] =	vst v45;
	v10 =	vsel vm10, v39, v11  }
0x10b: {  	v11 =	vld [tilespmem:s19+$0x1900];
	vm11 =	vgt.f32 v44, v10  }
0x10c: {  	v10 =	vsel vm11, v44, v10;
	v46 =	vpop (erf)  }
0x10d: {  	v47 =	vld [tilespmem:s19+$0x1910];
	vm12 =	vgt.f32 v20, v10;
	v18 =	vmul.f32 v46, v29  }
0x10e: {  	v10 =	vsel vm12, v20, v10;
	v48 =	vpop (erf)  }
0x10f: {  	v50 =	vld [tilespmem:s19+$0x1920];
	vm14 =	vgt.f32 v45, v10;
	v49 =	vmul.f32 v48, v40;
	vm13 =	vgt.f32 v18, $5.000000000e-01  }
0x110: {  	v10 =	vsel vm14, v45, v10;
	v51 =	vpop (erf);
	v11 =	vsel vm13, v0, v11  }
0x111: {  	v52 =	vld [tilespmem:s19+$0x1930];
	v17 =	vmul.f32 v51, v23;
	vm15 =	vgt.f32 v49, $5.000000000e-01;
	vm13 =	vgt.f32 v11, v10  }
0x112: {  	v53 =	vpop (erf);
	[tilespmem:s19+$0x1900] =	vst v11;
	v10 =	vsel vm13, v11, v10;
	v11 =	vsel vm15, v0, v47  }
0x113: {  	v54 =	vmul.f32 v53, v25;
	vm0 =	vgt.f32 v17, $5.000000000e-01;
	vm15 =	vgt.f32 v11, v10  }
0x114: {  	v55 =	vsel vm0, v0, v50;
	v10 =	vsel vm15, v11, v10  }
0x115: {  	vm1 =	vgt.f32 v54, $5.000000000e-01;
	vm0 =	vgt.f32 v55, v10  }
0x116: {  	v17 =	vsel vm1, v0, v52;
	v10 =	vsel vm0, v55, v10  }
0x117: {  	vm1 =	vgt.f32 v17, v10  }
0x118: {  	v10 =	vsel vm1, v17, v10  }
0x119: {  	(xrf0) =	vmax.scan.msk.f32 $0xffff, v10  }
0x11a: {  	v12 =	vsel vm10, v15, v12  }
0x11b: {  	v12 =	vsel vm11, v16, v12  }
0x11c: {  	s24 =	sadd.s32 $0x40, s21;
	v12 =	vsel vm12, v14, v12  }
0x11d: {  	v56 =	vor.u32 s24, v1;
	s21 =	sadd.s32 $0x10, s24;
	v12 =	vsel vm14, v13, v12  }
0x11e: {  	s22 =	sadd.s32 $0x20, s24;
	v57 =	vor.u32 s21, v1;
	v12 =	vsel vm13, v56, v12  }
0x11f: {  	v58 =	vor.u32 s22, v1;
	s20 =	sadd.s32 $0x30, s24;
	v12 =	vsel vm15, v57, v12;
	v59, _, _ =	vpop (xrf0)  }
0x120: {  	v60 =	vor.u32 s20, v1;
	v12 =	vsel vm0, v58, v12;
	v61 =	vbroadcast v59, $0xF  }
0x121: {  	v12 =	vsel vm1, v60, v12  }
0x122: {  	vm0 =	veq.f32 v10, v61;
	v10 =	vxor.u32 $0x80000000, v12  }
0x123: {  	v10 =	vnsel vm0, $0x80005000, v10  }
0x124: {  	(xrf0) =	vmin.scan.msk.u32 $0xffff, v10;
	_ =	sdelay $0x5  }
0x125: {  	v10, _, _ =	vpop (xrf0)  }
0x126: {  	(v2sf) =	vpush v10, $0xF;
	_ =	sdelay $0xe  }
0x127: {  	s25 =	spop (v2sf)  }
0x128: {  	s20 =	sxor.u32 $0x80000000, s25  }
0x129: {  	s20 =	ssub.s32 s20, s3  }
0x12a: {  	p1 =	sgt.s32 s20, $0x0  }
0x12b: {  	s20 =	simm.s32 @!p1 $0x0  }
0x12c: {  	s20 =	smin.u32 s20, $0x4FF  }
0x12d: {  	v10 =	vmov s20  }
0x12e: {  	v10 =	vbroadcast v10, $0x0;
	_ =	sdelay $0x2  }
0x12f: {  	[tilespmem:s19+$0x1910] =	vst v11  }
0x130: {  	[tilespmem:s19+$0x1920] =	vst v55  }
0x131: {  	[tilespmem:s19+$0x1930] =	vst v17  }
0x132: {  	v11 =	vld.idx.msk [tilespmem:v10+s8+$0x0], $0xffff  }
0x133: {  	v62 =	vld.idx.msk [tilespmem:v10+s9+$0x0], $0xffff  }
0x134: {  	v63 =	vld.idx.msk [tilespmem:v10+s10+$0x0], $0xffff  }
0x135: {  	v10 =	vld.idx.msk [tilespmem:v10+s11+$0x0], $0xffff  }
0x136: {  	vm0 =	vcmask $0x3F14  }
0x137: {  	v11 =	vsel vm0, $0x0, v11;
	vm0 =	vcmask $0x3F10  }
0x138: {  	v11 =	vsel vm0, v11, v62  }
0x139: {  	s26 =	sadd.s32 $0x1, s18;
	v11 =	vsel vm2, v11, v63  }
0x13a: {  	s28 =	sshll.u32 s26, $0x7;
	v10 =	vsel vm3, v11, v10  }
0x13b: {  	s19 =	sand.u32 $0x80, s28;
	v11 =	vsel @!p0 vm7, $0x0, v4;
	v10 =	vsel vm4, v10, v61  }
0x13c: {  	s29 =	sadd.s32 s19, s12;
	v9 =	vsel @!p0 vm8, v11, v9;
	[tilespmem:$0x1E00] =	vst v10  }
0x13d: {  	v8 =	vsel @!p0 vm9, v9, v8;
	[spmem:s29] =	stream.linear.scatter [tilespmem:s13], [sflag:$0x2], $0x10, $0x38;
	[tilespmem:$0x5420] =	vst v63  }
0x13e: {  	v7 =	vsel @!p0 vm6, v8, v7;
	_ =	swait.ge [sflag:s14], $0x10  }
0x13f: {  	s18 =	sshll.u32 @!p0 s18, $0x7;
	vm0 =	vgt.f32 @!p0 v4, v5;
	v6 =	vsel @!p0 vm5, v6, v7;
	[sflag:s14] =	ssyncset.done $0x0  }
0x140: {  	s18 =	sand.u32 @!p0 $0x3FFFFF80, s18;
	v4 =	vnsel @!p0 vm0, $0x0, v6;
	[sflag:s14] =	ssyncadd.s32 $0xFFFFFFF0  }
0x141: {  	[tilespmem:s18+$0x1F80] =	vst @!p0 v4  }
0x142: {  	s30 =	sadd.s32 s19, s1;
	[bflag:$0x0] =	sbarrier.arrive $0xFFFF  }
0x143: {  	[tilespmem:s17], [sflag:$0x2] =	stream.strided.gather [spmem:s30], $0x100, s16, s15, $0x38;
	[tilespmem:$0x5420] =	vst v63  }
0x144: {  	_ =	swait.ge [sflag:s14], $0x100  }
0x145: {  	[sflag:s14] =	ssyncset.done $0x0  }
0x146: {  	[sflag:s14] =	ssyncadd.s32 $0xFFFFFF00  }
0x147: {  	v6 =	vld.idx.msk [tilespmem:v2+s17+$0x0], $0xffff;
	_ =	sdelay $0x4  }
0x148: {  	(xrf0) =	vmax.scan.msk.f32 $0xffff, v6;
	_ =	sdelay $0x5  }
0x149: {  	v4, _, _ =	vpop (xrf0)  }
0x14a: {  	v4 =	vbroadcast v4, $0xF;
	_ =	sdelay $0x1  }
0x14b: {  	vm0 =	veq.f32 v6, v4  }
0x14c: {  	v6 =	vnsel vm0, $0x80000063, v3  }
0x14d: {  	(xrf0) =	vmin.scan.msk.u32 $0xffff, v6;
	_ =	sdelay $0x5  }
0x14e: {  	v6, _, _ =	vpop (xrf0)  }
0x14f: {  	(v2sf) =	vpush v6, $0xF;
	_ =	sdelay $0xe  }
0x150: {  	s19 =	spop (v2sf)  }
0x151: {  	s31 =	sshll.u32 s19, $0x4  }
0x152: {  	v6 =	vmov s31  }
0x153: {  	v7 =	vor.u32 $0x1, v6  }
0x154: {  	v8 =	vor.u32 $0x2, v6  }
0x155: {  	v9 =	vor.u32 $0x3, v6  }
0x156: {  	p1 =	sne.s32 s26, $0x63;
	v10 =	vor.u32 $0x4, v6  }
.Ltmp2:
0x157: {  	_ = 	snop;
	(pc) =	sbr.rel @p1 .LBB2_3-.Ltmp2, $4  }
0x158: {  	v6 =	vld.idx.msk [tilespmem:v7+s17+$0x0], $0xffff  }
0x159: {  	v7 =	vld.idx.msk [tilespmem:v8+s17+$0x0], $0xffff  }
0x15a: {  	v8 =	vld.idx.msk [tilespmem:v9+s17+$0x0], $0xffff  }
0x15b: {  	s18 =	smov.u32 s26;
	v9 =	vld.idx.msk [tilespmem:v10+s17+$0x0], $0xffff  }
0x15c: {  	_ =	sdelay $0x2  }
0x15d: {  	v0 =	vsel @!p0 vm7, $0x0, v4  }
0x15e: {  	v0 =	vsel @!p0 vm8, v0, v9  }
0x15f: {  	_ =	sfence.sel @p0 $0x180000;
	v0 =	vsel @!p0 vm9, v0, v8  }
0x160: {  	[bflag:$0x0] =	sbarrier.arrive @p0 $0xFFFF;
	v0 =	vsel @!p0 vm6, v0, v7  }
0x161: {  	vm0 =	vgt.f32 @!p0 v4, v5;
	_ =	strace @p0 $0x90000047;
	v0 =	vsel @!p0 vm5, v6, v0  }
0x162: {  	[bflag:$0x2] =	sbarrier.arrive @p0 $0xFFFF;
	v0 =	vnsel @!p0 vm0, $0x0, v0  }
0x163: {  	s1 =	simm.s32 @!p0 $0x0;
	s2 =	simm.s32 @!p0 $0x1F80;
	[tilespmem:$0x5100] =	vst @!p0 v0  }
0x164: {  	[hbm4b:s5+s1] =	stream.linear.scatter @!p0 [tilespmem:s2], [sflag:$0x2], $0x3400, $0x38;
	[tilespmem:$0x5420] =	vst v63  }
0x165: {  	s1 =	simm.s32 @!p0 $0x2  }
0x166: {  	_ =	swait.ge @!p0 [sflag:s1], $0x3400  }
0x167: {  	[sflag:s1] =	ssyncset.done @!p0 $0x0  }
0x168: {  	[sflag:s1] =	ssyncadd.s32 @!p0 $0xFFFFCC00  }
0x169: {  	_ =	sfence.sel @!p0 $0x180000  }
0x16a: {  	[bflag:$0x0] =	sbarrier.arrive @!p0 $0xFFFF  }
0x16b: {  	_ =	strace @!p0 $0x90000047  }
0x16c: {  	s0 =	sadd.s32 @!p0 $0x100000, s0;
	[bflag:$0x2] =	sbarrier.arrive @!p0 $0xFFFF  }
0x16d: {  	[sflag:s0] =	ssyncadd.tile.s32 @!p0 $0x1;
	_ =	shalt  }
.Lfunc_end2:
_tile_overlayer_lowered:
.L_overlay_start_2:
0x16e: {  	(tag) =	ssettag $0x2  }
0x16f: {  	s0 =	rddreg [dreg:$0x0];
	s2 =	stileid.u32  }
0x170: {  	s1 =	rddreg [dreg:$0x1];
	p0 =	sne.s32 s2, $0x0  }
0x171: {  	s3 =	rddreg [dreg:$0x2];
	[bflag:$0x3] =	sbarrier.arrive $0xFFFF;
	s2 =	simm.s32 @!p0 $0x1C02  }
0x172: {  	[timem:s3], [sflag:s2] =	dma.local @!p0 [hbm:s0], s1  }
0x173: {  	s0 =	simm.s32 @!p0 $0x2  }
0x174: {  	_ =	swait.ge @!p0 [sflag:s0], s1  }
0x175: {  	s1 =	ssub.s32 @!p0 $0x0, s1;
	[sflag:s0] =	ssyncset.done @!p0 $0x0  }
0x176: {  	[sflag:s0] =	ssyncadd.s32 @!p0 s1  }
0x177: {  	[bflag:$0x3] =	sbarrier.arrive $0xFFFF  }
0x178: {  	_ =	shalt  }

</sc_bundles>
